<compile_context>
chip_gen: v7x
topology: tpu7x:2x2x1
jax: 0.10.2.dev20260603
libtpu: 0.0.44.dev20260713+nightly
codegen_flags: <defaults>
</compile_context>

<pallas_src>
import functools

import jax
import jax.numpy as jnp
from jax import lax
from jax.experimental import pallas as pl
from jax.experimental.pallas import tpu as pltpu
from jax.experimental.pallas import tpu_sc as plsc

D = 128
NC = 2
NS = 16
NW = NC * NS


def _make_sc_gather_dual(n_rows, chunk, n_chunks):
    assert n_chunks % 2 == 0
    @functools.partial(
        pl.kernel,
        mesh=plsc.VectorSubcoreMesh(core_axis_name="c", subcore_axis_name="s"),
        out_type=[
            jax.ShapeDtypeStruct((n_rows, D), jnp.float32),
            jax.ShapeDtypeStruct((n_rows, D), jnp.float32),
        ],
        scratch_types=[
            pltpu.VMEM((chunk,), jnp.int32),
            pltpu.VMEM((chunk,), jnp.int32),
            pltpu.VMEM((chunk, D), jnp.float32),
            pltpu.VMEM((chunk, D), jnp.float32),
            pltpu.SemaphoreType.DMA,
            pltpu.SemaphoreType.DMA,
        ],
    )
    def sc_gather(idx_hbm, table, out_x, out_y,
                  idx_a, idx_b, rows_a, rows_b, semg, semw):
        wid = lax.axis_index("s") * NC + lax.axis_index("c")
        base = wid * (n_rows // NW)

        def two_chunks(off0):
            off1 = off0 + chunk
            pltpu.sync_copy(idx_hbm.at[pl.ds(off0, chunk)], idx_a)
            ga = pltpu.async_copy(table.at[idx_a], rows_a, semg)
            pltpu.sync_copy(idx_hbm.at[pl.ds(off1, chunk)], idx_b)
            gb = pltpu.async_copy(table.at[idx_b], rows_b, semg)
            ga.wait()
            wxa = pltpu.async_copy(rows_a, out_x.at[pl.ds(off0, chunk)], semw)
            wya = pltpu.async_copy(rows_a, out_y.at[pl.ds(off0, chunk)], semw)
            gb.wait()
            wxb = pltpu.async_copy(rows_b, out_x.at[pl.ds(off1, chunk)], semw)
            wyb = pltpu.async_copy(rows_b, out_y.at[pl.ds(off1, chunk)], semw)
            wxa.wait()
            wya.wait()
            wxb.wait()
            wyb.wait()

        if n_chunks <= 2:
            two_chunks(base)
        else:
            lax.fori_loop(
                0, n_chunks // 2,
                lambda j, c: (two_chunks(base + j * 2 * chunk), c)[1], 0)

    return sc_gather


def _proj_body(x_ref, wt_ref, b_ref, px_ref, py_ref):
    y = (
        jnp.dot(jnp.maximum(x_ref[...], 0.0), wt_ref[...],
                preferred_element_type=jnp.float32)
        + b_ref[...]
    )
    px_ref[...] = y
    py_ref[...] = y


def _project(x_flat, wt, b2, bm):
    n = x_flat.shape[0]
    out2 = jax.ShapeDtypeStruct((n, D), jnp.float32)
    spec = pl.BlockSpec((bm, D), lambda i: (i, 0))
    return pl.pallas_call(
        _proj_body,
        grid=(n // bm,),
        in_specs=[
            spec,
            pl.BlockSpec((D, D), lambda i: (0, 0)),
            pl.BlockSpec((1, D), lambda i: (0, 0)),
        ],
        out_specs=[spec, spec],
        out_shape=[out2, out2],
    )(x_flat, wt, b2)


def kernel(tensor_demo, tensor_med, tensor_vitals, tensor_labs, table, W, b):
    B, T_demo = tensor_demo.shape
    T_big = tensor_med.shape[1]
    n_demo = B * T_demo
    n_big = B * T_big

    def tmaj(x):
        return x.T.reshape(-1).astype(jnp.int32)

    idx_demo = tmaj(tensor_demo)
    idx_med = tmaj(tensor_med)
    idx_vit = tmaj(tensor_vitals)
    idx_lab = tmaj(tensor_labs)

    gather_demo = _make_sc_gather_dual(n_demo, 448, 2)
    gather_big = _make_sc_gather_dual(n_big, 400, 16)

    em_fx, em_fy = gather_big(idx_med, table)
    ev_fx, ev_fy = gather_big(idx_vit, table)
    el_fx, el_fy = gather_big(idx_lab, table)
    ed_fx, ed_fy = gather_demo(idx_demo, table)

    wt = W.T
    b2 = b.reshape(1, D)
    pm_fx, pm_fy = _project(em_fx, wt, b2, 4096)
    pv_fx, pv_fy = _project(ev_fx, wt, b2, 4096)
    pl_fx, pl_fy = _project(el_fx, wt, b2, 4096)
    pd_fx, pd_fy = _project(ed_fx, wt, b2, 4096)

    def btd(x_flat, t):
        return jnp.transpose(x_flat.reshape(t, B, D), (1, 0, 2))

    embedding_x = (btd(ed_fx, T_demo), btd(em_fx, T_big),
                   btd(ev_fx, T_big), btd(el_fx, T_big))
    embedding_y = (btd(ed_fy, T_demo), btd(em_fy, T_big),
                   btd(ev_fy, T_big), btd(el_fy, T_big))
    projection_x = (btd(pd_fx, T_demo), btd(pm_fx, T_big),
                    btd(pv_fx, T_big), btd(pl_fx, T_big))
    projection_y = (btd(pd_fy, T_demo), btd(pm_fy, T_big),
                    btd(pv_fy, T_big), btd(pl_fy, T_big))
    return (embedding_x, projection_x, embedding_y, projection_y)

# --- scband reference (transcript-rebuilt; emitter-appended) ---
"""Pipeline reference for scband-ehr-embedding-1331439862530 (READ-ONLY COPY).

The authoritative reference and input builder live on the scoring server;
editing this copy changes nothing except your own understanding.
"""

import jax, jax.numpy as jnp
import numpy as np

VOCAB = 15463
D = 128
B = 4096


def setup_inputs(seed: int = 0) -> dict:
    key = jax.random.key(seed)
    k1, k2, k3, k4, k5, k6 = jax.random.split(key, 6)
    tensor_demo = jax.random.randint(k1, (B, 7), 0, VOCAB, dtype=jnp.int64 if jax.config.jax_enable_x64 else jnp.int32)
    tensor_med = jax.random.randint(k2, (B, 50), 0, VOCAB, dtype=jnp.int64 if jax.config.jax_enable_x64 else jnp.int32)
    tensor_vitals = jax.random.randint(k3, (B, 50), 0, VOCAB, dtype=jnp.int64 if jax.config.jax_enable_x64 else jnp.int32)
    tensor_labs = jax.random.randint(k4, (B, 50), 0, VOCAB, dtype=jnp.int64 if jax.config.jax_enable_x64 else jnp.int32)
    table = jax.random.normal(k5, (VOCAB, D), dtype=jnp.float32)
    W = jax.random.normal(k6, (D, D), dtype=jnp.float32) * 0.05
    b = jnp.zeros((D,), dtype=jnp.float32)
    return {
        "tensor_demo": tensor_demo,
        "tensor_med": tensor_med,
        "tensor_vitals": tensor_vitals,
        "tensor_labs": tensor_labs,
        "table": table,
        "W": W,
        "b": b,
    }


def reference(tensor_demo, tensor_med, tensor_vitals, tensor_labs, table, W, b):
    # Dropout in eval mode -> identity. squeeze(1) is a no-op since dim 1 != 1.
    def emb(idx):
        return jnp.take(table, idx, axis=0)

    def proj(e):
        # nn.Sequential(ReLU(), Linear(D, D)): y = relu(x) @ W^T + b
        return jax.nn.relu(e) @ W.T + b

    emb_demo_X = emb(tensor_demo)
    emb_med_X = emb(tensor_med)
    emb_vitals_X = emb(tensor_vitals)
    emb_labs_X = emb(tensor_labs)
    embedding_X = (emb_demo_X, emb_med_X, emb_vitals_X, emb_labs_X)
    projection_X = (proj(emb_demo_X), proj(emb_med_X), proj(emb_vitals_X), proj(emb_labs_X))

    emb_demo_Y = emb(tensor_demo)
    emb_med_Y = emb(tensor_med)
    emb_vitals_Y = emb(tensor_vitals)
    emb_labs_Y = emb(tensor_labs)
    embedding_Y = (emb_demo_Y, emb_med_Y, emb_vitals_Y, emb_labs_Y)
    projection_Y = (proj(emb_demo_Y), proj(emb_med_Y), proj(emb_vitals_Y), proj(emb_labs_Y))

    return (embedding_X, projection_X, embedding_Y, projection_Y)

if __name__ == "__main__":
    import jax
    _d = setup_inputs()
    print(jax.jit(kernel)(*tuple(_d.values())))

</pallas_src>

<mosaic_0001>
#map = affine_map<(d0, d1) -> (0)>
#map1 = affine_map<(d0, d1) -> (0, 0)>
module attributes {stable_mosaic.version = 14 : i64} {
  func.func @sc_gather(%arg0: i32, %arg1: i32, %arg2: memref<204800xi32, #tpu.memory_space<hbm>>, %arg3: memref<15463x128xf32, #tpu.memory_space<hbm>>, %arg4: memref<204800x128xf32, #tpu.memory_space<hbm>>, %arg5: memref<204800x128xf32, #tpu.memory_space<hbm>>, %arg6: memref<400xi32, #tpu.memory_space<vmem>>, %arg7: memref<400xi32, #tpu.memory_space<vmem>>, %arg8: memref<400x128xf32, #tpu.memory_space<vmem>>, %arg9: memref<400x128xf32, #tpu.memory_space<vmem>>, %arg10: memref<!tpu.dma_semaphore, #tpu.memory_space<semaphore_mem>>, %arg11: memref<!tpu.dma_semaphore, #tpu.memory_space<semaphore_mem>>) attributes {dimension_semantics = [#tpu.dimension_semantics<core_parallel>, #tpu.dimension_semantics<subcore_parallel>], iteration_bounds = array<i64: 2, 16>, scalar_prefetch = 0 : i64, scratch_operands = 6 : i64, tpu.core_type = #tpu.core_type<sc_vector_subcore>, window_params = [{transform_indices = #map}, {transform_indices = #map1}, {transform_indices = #map1}, {transform_indices = #map1}]} {
    %mul3A = arith.constant 2 : i32
    %mul3A_0 = arith.muli %arg1, %mul3A : i32
    %add3A = arith.addi %mul3A_0, %arg0 : i32
    %mul3A_1 = arith.constant 6400 : i32
    %mul3A_2 = arith.muli %add3A, %mul3A_1 : i32
    %scan3A = arith.constant 0 : i32
    %scan3A_3 = arith.constant 0 : i32
    %scan3A_4 = arith.constant 8 : i32
    %scan3A_5 = arith.addi %scan3A_3, %scan3A_4 : i32
    %scan3A_6 = arith.constant 1 : i32
    scf.for %scan3A_8 = %scan3A_3 to %scan3A_5 step %scan3A_6  : i32 {
      %mul3A_9 = arith.constant 2 : i32
      %mul3A_10 = arith.muli %scan3A_8, %mul3A_9 : i32
      %mul3A_11 = arith.constant 400 : i32
      %mul3A_12 = arith.muli %mul3A_10, %mul3A_11 : i32
      %add3A_13 = arith.addi %mul3A_2, %mul3A_12 : i32
      %add3A_14 = arith.constant 400 : i32
      %add3A_15 = arith.addi %add3A_13, %add3A_14 : i32
      "tpu.region"() ({
        %run_scoped3A = tpu.sem_alloc : memref<!tpu.dma_semaphore, #tpu.memory_space<semaphore_mem>>
        %dma_start3A_58 = tpu.memref_slice %arg2[%add3A_13] : memref<204800xi32, #tpu.memory_space<hbm>> -> memref<400xi32, #tpu.memory_space<hbm>>
        %dma_start3A_59 = tpu.memref_slice %arg2[%add3A_13] : memref<204800xi32, #tpu.memory_space<hbm>> -> memref<400xi32, #tpu.memory_space<hbm>>
        tpu.enqueue_dma source(%dma_start3A_59 : memref<400xi32, #tpu.memory_space<hbm>>) target(%arg6 : memref<400xi32, #tpu.memory_space<vmem>>) target_semaphore(%run_scoped3A : memref<!tpu.dma_semaphore, #tpu.memory_space<semaphore_mem>>)
        %dma_wait3A_60 = tpu.memref_slice %arg2[%add3A_13] : memref<204800xi32, #tpu.memory_space<hbm>> -> memref<400xi32, #tpu.memory_space<hbm>>
        %dma_wait3A_61 = tpu.memref_slice %arg2[%add3A_13] : memref<204800xi32, #tpu.memory_space<hbm>> -> memref<400xi32, #tpu.memory_space<hbm>>
        tpu.wait_dma2 semaphore(%run_scoped3A : memref<!tpu.dma_semaphore, #tpu.memory_space<semaphore_mem>>) src(%dma_wait3A_61 : memref<400xi32, #tpu.memory_space<hbm>>) dst(%arg6 : memref<400xi32, #tpu.memory_space<vmem>>)
        tpu.yield
      }) : () -> ()
      %dma_start3A = arith.constant 0 : i32
      %dma_start3A_16 = arith.constant 0 : i32
      %dma_start3A_17 = tpu.memref_slice %arg3[%dma_start3A, %dma_start3A_16] : memref<15463x128xf32, #tpu.memory_space<hbm>> -> memref<15463x128xf32, #tpu.memory_space<hbm>>
      tpu.enqueue_indirect_dma source(%dma_start3A_17 : memref<15463x128xf32, #tpu.memory_space<hbm>>) target(%arg8 : memref<400x128xf32, #tpu.memory_space<vmem>>) offsets(%arg6 : memref<400xi32, #tpu.memory_space<vmem>>) semaphore(%arg10 : memref<!tpu.dma_semaphore, #tpu.memory_space<semaphore_mem>>)
      "tpu.region"() ({
        %run_scoped3A = tpu.sem_alloc : memref<!tpu.dma_semaphore, #tpu.memory_space<semaphore_mem>>
        %dma_start3A_58 = tpu.memref_slice %arg2[%add3A_15] : memref<204800xi32, #tpu.memory_space<hbm>> -> memref<400xi32, #tpu.memory_space<hbm>>
        %dma_start3A_59 = tpu.memref_slice %arg2[%add3A_15] : memref<204800xi32, #tpu.memory_space<hbm>> -> memref<400xi32, #tpu.memory_space<hbm>>
        tpu.enqueue_dma source(%dma_start3A_59 : memref<400xi32, #tpu.memory_space<hbm>>) target(%arg7 : memref<400xi32, #tpu.memory_space<vmem>>) target_semaphore(%run_scoped3A : memref<!tpu.dma_semaphore, #tpu.memory_space<semaphore_mem>>)
        %dma_wait3A_60 = tpu.memref_slice %arg2[%add3A_15] : memref<204800xi32, #tpu.memory_space<hbm>> -> memref<400xi32, #tpu.memory_space<hbm>>
        %dma_wait3A_61 = tpu.memref_slice %arg2[%add3A_15] : memref<204800xi32, #tpu.memory_space<hbm>> -> memref<400xi32, #tpu.memory_space<hbm>>
        tpu.wait_dma2 semaphore(%run_scoped3A : memref<!tpu.dma_semaphore, #tpu.memory_space<semaphore_mem>>) src(%dma_wait3A_61 : memref<400xi32, #tpu.memory_space<hbm>>) dst(%arg7 : memref<400xi32, #tpu.memory_space<vmem>>)
        tpu.yield
      }) : () -> ()
      %dma_start3A_18 = arith.constant 0 : i32
      %dma_start3A_19 = arith.constant 0 : i32
      %dma_start3A_20 = tpu.memref_slice %arg3[%dma_start3A_18, %dma_start3A_19] : memref<15463x128xf32, #tpu.memory_space<hbm>> -> memref<15463x128xf32, #tpu.memory_space<hbm>>
      tpu.enqueue_indirect_dma source(%dma_start3A_20 : memref<15463x128xf32, #tpu.memory_space<hbm>>) target(%arg9 : memref<400x128xf32, #tpu.memory_space<vmem>>) offsets(%arg7 : memref<400xi32, #tpu.memory_space<vmem>>) semaphore(%arg10 : memref<!tpu.dma_semaphore, #tpu.memory_space<semaphore_mem>>)
      %dma_wait3A = arith.constant 0 : i32
      %dma_wait3A_21 = arith.constant 0 : i32
      %dma_wait3A_22 = tpu.memref_slice %arg3[%dma_wait3A, %dma_wait3A_21] : memref<15463x128xf32, #tpu.memory_space<hbm>> -> memref<15463x128xf32, #tpu.memory_space<hbm>>
      tpu.wait_indirect_dma semaphore(%arg10 : memref<!tpu.dma_semaphore, #tpu.memory_space<semaphore_mem>>) src(%dma_wait3A_22 : memref<15463x128xf32, #tpu.memory_space<hbm>>) dst(%arg8 : memref<400x128xf32, #tpu.memory_space<vmem>>)
      %dma_start3A_23 = arith.constant 0 : i32
      %dma_start3A_24 = tpu.memref_slice %arg4[%add3A_13, %dma_start3A_23] : memref<204800x128xf32, #tpu.memory_space<hbm>> -> memref<400x128xf32, #tpu.memory_space<hbm>>
      %dma_start3A_25 = arith.constant 0 : i32
      %dma_start3A_26 = tpu.memref_slice %arg4[%add3A_13, %dma_start3A_25] : memref<204800x128xf32, #tpu.memory_space<hbm>> -> memref<400x128xf32, #tpu.memory_space<hbm>>
      tpu.enqueue_dma source(%arg8 : memref<400x128xf32, #tpu.memory_space<vmem>>) target(%dma_start3A_26 : memref<400x128xf32, #tpu.memory_space<hbm>>) target_semaphore(%arg11 : memref<!tpu.dma_semaphore, #tpu.memory_space<semaphore_mem>>)
      %dma_start3A_27 = arith.constant 0 : i32
      %dma_start3A_28 = tpu.memref_slice %arg5[%add3A_13, %dma_start3A_27] : memref<204800x128xf32, #tpu.memory_space<hbm>> -> memref<400x128xf32, #tpu.memory_space<hbm>>
      %dma_start3A_29 = arith.constant 0 : i32
      %dma_start3A_30 = tpu.memref_slice %arg5[%add3A_13, %dma_start3A_29] : memref<204800x128xf32, #tpu.memory_space<hbm>> -> memref<400x128xf32, #tpu.memory_space<hbm>>
      tpu.enqueue_dma source(%arg8 : memref<400x128xf32, #tpu.memory_space<vmem>>) target(%dma_start3A_30 : memref<400x128xf32, #tpu.memory_space<hbm>>) target_semaphore(%arg11 : memref<!tpu.dma_semaphore, #tpu.memory_space<semaphore_mem>>)
      %dma_wait3A_31 = arith.constant 0 : i32
      %dma_wait3A_32 = arith.constant 0 : i32
      %dma_wait3A_33 = tpu.memref_slice %arg3[%dma_wait3A_31, %dma_wait3A_32] : memref<15463x128xf32, #tpu.memory_space<hbm>> -> memref<15463x128xf32, #tpu.memory_space<hbm>>
      tpu.wait_indirect_dma semaphore(%arg10 : memref<!tpu.dma_semaphore, #tpu.memory_space<semaphore_mem>>) src(%dma_wait3A_33 : memref<15463x128xf32, #tpu.memory_space<hbm>>) dst(%arg9 : memref<400x128xf32, #tpu.memory_space<vmem>>)
      %dma_start3A_34 = arith.constant 0 : i32
      %dma_start3A_35 = tpu.memref_slice %arg4[%add3A_15, %dma_start3A_34] : memref<204800x128xf32, #tpu.memory_space<hbm>> -> memref<400x128xf32, #tpu.memory_space<hbm>>
      %dma_start3A_36 = arith.constant 0 : i32
      %dma_start3A_37 = tpu.memref_slice %arg4[%add3A_15, %dma_start3A_36] : memref<204800x128xf32, #tpu.memory_space<hbm>> -> memref<400x128xf32, #tpu.memory_space<hbm>>
      tpu.enqueue_dma source(%arg9 : memref<400x128xf32, #tpu.memory_space<vmem>>) target(%dma_start3A_37 : memref<400x128xf32, #tpu.memory_space<hbm>>) target_semaphore(%arg11 : memref<!tpu.dma_semaphore, #tpu.memory_space<semaphore_mem>>)
      %dma_start3A_38 = arith.constant 0 : i32
      %dma_start3A_39 = tpu.memref_slice %arg5[%add3A_15, %dma_start3A_38] : memref<204800x128xf32, #tpu.memory_space<hbm>> -> memref<400x128xf32, #tpu.memory_space<hbm>>
      %dma_start3A_40 = arith.constant 0 : i32
      %dma_start3A_41 = tpu.memref_slice %arg5[%add3A_15, %dma_start3A_40] : memref<204800x128xf32, #tpu.memory_space<hbm>> -> memref<400x128xf32, #tpu.memory_space<hbm>>
      tpu.enqueue_dma source(%arg9 : memref<400x128xf32, #tpu.memory_space<vmem>>) target(%dma_start3A_41 : memref<400x128xf32, #tpu.memory_space<hbm>>) target_semaphore(%arg11 : memref<!tpu.dma_semaphore, #tpu.memory_space<semaphore_mem>>)
      %dma_wait3A_42 = arith.constant 0 : i32
      %dma_wait3A_43 = tpu.memref_slice %arg4[%add3A_13, %dma_wait3A_42] : memref<204800x128xf32, #tpu.memory_space<hbm>> -> memref<400x128xf32, #tpu.memory_space<hbm>>
      %dma_wait3A_44 = arith.constant 0 : i32
      %dma_wait3A_45 = tpu.memref_slice %arg4[%add3A_13, %dma_wait3A_44] : memref<204800x128xf32, #tpu.memory_space<hbm>> -> memref<400x128xf32, #tpu.memory_space<hbm>>
      tpu.wait_dma2 semaphore(%arg11 : memref<!tpu.dma_semaphore, #tpu.memory_space<semaphore_mem>>) src(%arg8 : memref<400x128xf32, #tpu.memory_space<vmem>>) dst(%dma_wait3A_45 : memref<400x128xf32, #tpu.memory_space<hbm>>)
      %dma_wait3A_46 = arith.constant 0 : i32
      %dma_wait3A_47 = tpu.memref_slice %arg5[%add3A_13, %dma_wait3A_46] : memref<204800x128xf32, #tpu.memory_space<hbm>> -> memref<400x128xf32, #tpu.memory_space<hbm>>
      %dma_wait3A_48 = arith.constant 0 : i32
      %dma_wait3A_49 = tpu.memref_slice %arg5[%add3A_13, %dma_wait3A_48] : memref<204800x128xf32, #tpu.memory_space<hbm>> -> memref<400x128xf32, #tpu.memory_space<hbm>>
      tpu.wait_dma2 semaphore(%arg11 : memref<!tpu.dma_semaphore, #tpu.memory_space<semaphore_mem>>) src(%arg8 : memref<400x128xf32, #tpu.memory_space<vmem>>) dst(%dma_wait3A_49 : memref<400x128xf32, #tpu.memory_space<hbm>>)
      %dma_wait3A_50 = arith.constant 0 : i32
      %dma_wait3A_51 = tpu.memref_slice %arg4[%add3A_15, %dma_wait3A_50] : memref<204800x128xf32, #tpu.memory_space<hbm>> -> memref<400x128xf32, #tpu.memory_space<hbm>>
      %dma_wait3A_52 = arith.constant 0 : i32
      %dma_wait3A_53 = tpu.memref_slice %arg4[%add3A_15, %dma_wait3A_52] : memref<204800x128xf32, #tpu.memory_space<hbm>> -> memref<400x128xf32, #tpu.memory_space<hbm>>
      tpu.wait_dma2 semaphore(%arg11 : memref<!tpu.dma_semaphore, #tpu.memory_space<semaphore_mem>>) src(%arg9 : memref<400x128xf32, #tpu.memory_space<vmem>>) dst(%dma_wait3A_53 : memref<400x128xf32, #tpu.memory_space<hbm>>)
      %dma_wait3A_54 = arith.constant 0 : i32
      %dma_wait3A_55 = tpu.memref_slice %arg5[%add3A_15, %dma_wait3A_54] : memref<204800x128xf32, #tpu.memory_space<hbm>> -> memref<400x128xf32, #tpu.memory_space<hbm>>
      %dma_wait3A_56 = arith.constant 0 : i32
      %dma_wait3A_57 = tpu.memref_slice %arg5[%add3A_15, %dma_wait3A_56] : memref<204800x128xf32, #tpu.memory_space<hbm>> -> memref<400x128xf32, #tpu.memory_space<hbm>>
      tpu.wait_dma2 semaphore(%arg11 : memref<!tpu.dma_semaphore, #tpu.memory_space<semaphore_mem>>) src(%arg9 : memref<400x128xf32, #tpu.memory_space<vmem>>) dst(%dma_wait3A_57 : memref<400x128xf32, #tpu.memory_space<hbm>>)
    }
    %scan3A_7 = arith.constant 8 : i32
    return
  }
}

#map = affine_map<(d0, d1) -> (0)>
#map1 = affine_map<(d0, d1) -> (0, 0)>
module attributes {stable_mosaic.version = 14 : i64} {
  func.func @sc_gather(%arg0: i32, %arg1: i32, %arg2: memref<204800xi32, #tpu.memory_space<hbm>>, %arg3: memref<15463x128xf32, #tpu.memory_space<hbm>>, %arg4: memref<204800x128xf32, #tpu.memory_space<hbm>>, %arg5: memref<204800x128xf32, #tpu.memory_space<hbm>>, %arg6: memref<400xi32, #tpu.memory_space<vmem>>, %arg7: memref<400xi32, #tpu.memory_space<vmem>>, %arg8: memref<400x128xf32, #tpu.memory_space<vmem>>, %arg9: memref<400x128xf32, #tpu.memory_space<vmem>>, %arg10: memref<!tpu.dma_semaphore, #tpu.memory_space<semaphore_mem>>, %arg11: memref<!tpu.dma_semaphore, #tpu.memory_space<semaphore_mem>>) attributes {dimension_semantics = [#tpu.dimension_semantics<core_parallel>, #tpu.dimension_semantics<subcore_parallel>], iteration_bounds = array<i64: 2, 16>, scalar_prefetch = 0 : i64, scratch_operands = 6 : i64, tpu.core_type = #tpu.core_type<sc_vector_subcore>, window_params = [{transform_indices = #map}, {transform_indices = #map1}, {transform_indices = #map1}, {transform_indices = #map1}]} {
    %mul3A = arith.constant 2 : i32
    %mul3A_0 = arith.muli %arg1, %mul3A : i32
    %add3A = arith.addi %mul3A_0, %arg0 : i32
    %mul3A_1 = arith.constant 6400 : i32
    %mul3A_2 = arith.muli %add3A, %mul3A_1 : i32
    %scan3A = arith.constant 0 : i32
    %scan3A_3 = arith.constant 0 : i32
    %scan3A_4 = arith.constant 8 : i32
    %scan3A_5 = arith.addi %scan3A_3, %scan3A_4 : i32
    %scan3A_6 = arith.constant 1 : i32
    scf.for %scan3A_8 = %scan3A_3 to %scan3A_5 step %scan3A_6  : i32 {
      %mul3A_9 = arith.constant 2 : i32
      %mul3A_10 = arith.muli %scan3A_8, %mul3A_9 : i32
      %mul3A_11 = arith.constant 400 : i32
      %mul3A_12 = arith.muli %mul3A_10, %mul3A_11 : i32
      %add3A_13 = arith.addi %mul3A_2, %mul3A_12 : i32
      %add3A_14 = arith.constant 400 : i32
      %add3A_15 = arith.addi %add3A_13, %add3A_14 : i32
      "tpu.region"() ({
        %run_scoped3A = tpu.sem_alloc : memref<!tpu.dma_semaphore, #tpu.memory_space<semaphore_mem>>
        %dma_start3A_58 = tpu.memref_slice %arg2[%add3A_13] : memref<204800xi32, #tpu.memory_space<hbm>> -> memref<400xi32, #tpu.memory_space<hbm>>
        %dma_start3A_59 = tpu.memref_slice %arg2[%add3A_13] : memref<204800xi32, #tpu.memory_space<hbm>> -> memref<400xi32, #tpu.memory_space<hbm>>
        tpu.enqueue_dma source(%dma_start3A_59 : memref<400xi32, #tpu.memory_space<hbm>>) target(%arg6 : memref<400xi32, #tpu.memory_space<vmem>>) target_semaphore(%run_scoped3A : memref<!tpu.dma_semaphore, #tpu.memory_space<semaphore_mem>>)
        %dma_wait3A_60 = tpu.memref_slice %arg2[%add3A_13] : memref<204800xi32, #tpu.memory_space<hbm>> -> memref<400xi32, #tpu.memory_space<hbm>>
        %dma_wait3A_61 = tpu.memref_slice %arg2[%add3A_13] : memref<204800xi32, #tpu.memory_space<hbm>> -> memref<400xi32, #tpu.memory_space<hbm>>
        tpu.wait_dma2 semaphore(%run_scoped3A : memref<!tpu.dma_semaphore, #tpu.memory_space<semaphore_mem>>) src(%dma_wait3A_61 : memref<400xi32, #tpu.memory_space<hbm>>) dst(%arg6 : memref<400xi32, #tpu.memory_space<vmem>>)
        tpu.yield
      }) : () -> ()
      %dma_start3A = arith.constant 0 : i32
      %dma_start3A_16 = arith.constant 0 : i32
      %dma_start3A_17 = tpu.memref_slice %arg3[%dma_start3A, %dma_start3A_16] : memref<15463x128xf32, #tpu.memory_space<hbm>> -> memref<15463x128xf32, #tpu.memory_space<hbm>>
      tpu.enqueue_indirect_dma source(%dma_start3A_17 : memref<15463x128xf32, #tpu.memory_space<hbm>>) target(%arg8 : memref<400x128xf32, #tpu.memory_space<vmem>>) offsets(%arg6 : memref<400xi32, #tpu.memory_space<vmem>>) semaphore(%arg10 : memref<!tpu.dma_semaphore, #tpu.memory_space<semaphore_mem>>)
      "tpu.region"() ({
        %run_scoped3A = tpu.sem_alloc : memref<!tpu.dma_semaphore, #tpu.memory_space<semaphore_mem>>
        %dma_start3A_58 = tpu.memref_slice %arg2[%add3A_15] : memref<204800xi32, #tpu.memory_space<hbm>> -> memref<400xi32, #tpu.memory_space<hbm>>
        %dma_start3A_59 = tpu.memref_slice %arg2[%add3A_15] : memref<204800xi32, #tpu.memory_space<hbm>> -> memref<400xi32, #tpu.memory_space<hbm>>
        tpu.enqueue_dma source(%dma_start3A_59 : memref<400xi32, #tpu.memory_space<hbm>>) target(%arg7 : memref<400xi32, #tpu.memory_space<vmem>>) target_semaphore(%run_scoped3A : memref<!tpu.dma_semaphore, #tpu.memory_space<semaphore_mem>>)
        %dma_wait3A_60 = tpu.memref_slice %arg2[%add3A_15] : memref<204800xi32, #tpu.memory_space<hbm>> -> memref<400xi32, #tpu.memory_space<hbm>>
        %dma_wait3A_61 = tpu.memref_slice %arg2[%add3A_15] : memref<204800xi32, #tpu.memory_space<hbm>> -> memref<400xi32, #tpu.memory_space<hbm>>
        tpu.wait_dma2 semaphore(%run_scoped3A : memref<!tpu.dma_semaphore, #tpu.memory_space<semaphore_mem>>) src(%dma_wait3A_61 : memref<400xi32, #tpu.memory_space<hbm>>) dst(%arg7 : memref<400xi32, #tpu.memory_space<vmem>>)
        tpu.yield
      }) : () -> ()
      %dma_start3A_18 = arith.constant 0 : i32
      %dma_start3A_19 = arith.constant 0 : i32
      %dma_start3A_20 = tpu.memref_slice %arg3[%dma_start3A_18, %dma_start3A_19] : memref<15463x128xf32, #tpu.memory_space<hbm>> -> memref<15463x128xf32, #tpu.memory_space<hbm>>
      tpu.enqueue_indirect_dma source(%dma_start3A_20 : memref<15463x128xf32, #tpu.memory_space<hbm>>) target(%arg9 : memref<400x128xf32, #tpu.memory_space<vmem>>) offsets(%arg7 : memref<400xi32, #tpu.memory_space<vmem>>) semaphore(%arg10 : memref<!tpu.dma_semaphore, #tpu.memory_space<semaphore_mem>>)
      %dma_wait3A = arith.constant 0 : i32
      %dma_wait3A_21 = arith.constant 0 : i32
      %dma_wait3A_22 = tpu.memref_slice %arg3[%dma_wait3A, %dma_wait3A_21] : memref<15463x128xf32, #tpu.memory_space<hbm>> -> memref<15463x128xf32, #tpu.memory_space<hbm>>
      tpu.wait_indirect_dma semaphore(%arg10 : memref<!tpu.dma_semaphore, #tpu.memory_space<semaphore_mem>>) src(%dma_wait3A_22 : memref<15463x128xf32, #tpu.memory_space<hbm>>) dst(%arg8 : memref<400x128xf32, #tpu.memory_space<vmem>>)
      %dma_start3A_23 = arith.constant 0 : i32
      %dma_start3A_24 = tpu.memref_slice %arg4[%add3A_13, %dma_start3A_23] : memref<204800x128xf32, #tpu.memory_space<hbm>> -> memref<400x128xf32, #tpu.memory_space<hbm>>
      %dma_start3A_25 = arith.constant 0 : i32
      %dma_start3A_26 = tpu.memref_slice %arg4[%add3A_13, %dma_start3A_25] : memref<204800x128xf32, #tpu.memory_space<hbm>> -> memref<400x128xf32, #tpu.memory_space<hbm>>
      tpu.enqueue_dma source(%arg8 : memref<400x128xf32, #tpu.memory_space<vmem>>) target(%dma_start3A_26 : memref<400x128xf32, #tpu.memory_space<hbm>>) target_semaphore(%arg11 : memref<!tpu.dma_semaphore, #tpu.memory_space<semaphore_mem>>)
      %dma_start3A_27 = arith.constant 0 : i32
      %dma_start3A_28 = tpu.memref_slice %arg5[%add3A_13, %dma_start3A_27] : memref<204800x128xf32, #tpu.memory_space<hbm>> -> memref<400x128xf32, #tpu.memory_space<hbm>>
      %dma_start3A_29 = arith.constant 0 : i32
      %dma_start3A_30 = tpu.memref_slice %arg5[%add3A_13, %dma_start3A_29] : memref<204800x128xf32, #tpu.memory_space<hbm>> -> memref<400x128xf32, #tpu.memory_space<hbm>>
      tpu.enqueue_dma source(%arg8 : memref<400x128xf32, #tpu.memory_space<vmem>>) target(%dma_start3A_30 : memref<400x128xf32, #tpu.memory_space<hbm>>) target_semaphore(%arg11 : memref<!tpu.dma_semaphore, #tpu.memory_space<semaphore_mem>>)
      %dma_wait3A_31 = arith.constant 0 : i32
      %dma_wait3A_32 = arith.constant 0 : i32
      %dma_wait3A_33 = tpu.memref_slice %arg3[%dma_wait3A_31, %dma_wait3A_32] : memref<15463x128xf32, #tpu.memory_space<hbm>> -> memref<15463x128xf32, #tpu.memory_space<hbm>>
      tpu.wait_indirect_dma semaphore(%arg10 : memref<!tpu.dma_semaphore, #tpu.memory_space<semaphore_mem>>) src(%dma_wait3A_33 : memref<15463x128xf32, #tpu.memory_space<hbm>>) dst(%arg9 : memref<400x128xf32, #tpu.memory_space<vmem>>)
      %dma_start3A_34 = arith.constant 0 : i32
      %dma_start3A_35 = tpu.memref_slice %arg4[%add3A_15, %dma_start3A_34] : memref<204800x128xf32, #tpu.memory_space<hbm>> -> memref<400x128xf32, #tpu.memory_space<hbm>>
      %dma_start3A_36 = arith.constant 0 : i32
      %dma_start3A_37 = tpu.memref_slice %arg4[%add3A_15, %dma_start3A_36] : memref<204800x128xf32, #tpu.memory_space<hbm>> -> memref<400x128xf32, #tpu.memory_space<hbm>>
      tpu.enqueue_dma source(%arg9 : memref<400x128xf32, #tpu.memory_space<vmem>>) target(%dma_start3A_37 : memref<400x128xf32, #tpu.memory_space<hbm>>) target_semaphore(%arg11 : memref<!tpu.dma_semaphore, #tpu.memory_space<semaphore_mem>>)
      %dma_start3A_38 = arith.constant 0 : i32
      %dma_start3A_39 = tpu.memref_slice %arg5[%add3A_15, %dma_start3A_38] : memref<204800x128xf32, #tpu.memory_space<hbm>> -> memref<400x128xf32, #tpu.memory_space<hbm>>
      %dma_start3A_40 = arith.constant 0 : i32
      %dma_start3A_41 = tpu.memref_slice %arg5[%add3A_15, %dma_start3A_40] : memref<204800x128xf32, #tpu.memory_space<hbm>> -> memref<400x128xf32, #tpu.memory_space<hbm>>
      tpu.enqueue_dma source(%arg9 : memref<400x128xf32, #tpu.memory_space<vmem>>) target(%dma_start3A_41 : memref<400x128xf32, #tpu.memory_space<hbm>>) target_semaphore(%arg11 : memref<!tpu.dma_semaphore, #tpu.memory_space<semaphore_mem>>)
      %dma_wait3A_42 = arith.constant 0 : i32
      %dma_wait3A_43 = tpu.memref_slice %arg4[%add3A_13, %dma_wait3A_42] : memref<204800x128xf32, #tpu.memory_space<hbm>> -> memref<400x128xf32, #tpu.memory_space<hbm>>
      %dma_wait3A_44 = arith.constant 0 : i32
      %dma_wait3A_45 = tpu.memref_slice %arg4[%add3A_13, %dma_wait3A_44] : memref<204800x128xf32, #tpu.memory_space<hbm>> -> memref<400x128xf32, #tpu.memory_space<hbm>>
      tpu.wait_dma2 semaphore(%arg11 : memref<!tpu.dma_semaphore, #tpu.memory_space<semaphore_mem>>) src(%arg8 : memref<400x128xf32, #tpu.memory_space<vmem>>) dst(%dma_wait3A_45 : memref<400x128xf32, #tpu.memory_space<hbm>>)
      %dma_wait3A_46 = arith.constant 0 : i32
      %dma_wait3A_47 = tpu.memref_slice %arg5[%add3A_13, %dma_wait3A_46] : memref<204800x128xf32, #tpu.memory_space<hbm>> -> memref<400x128xf32, #tpu.memory_space<hbm>>
      %dma_wait3A_48 = arith.constant 0 : i32
      %dma_wait3A_49 = tpu.memref_slice %arg5[%add3A_13, %dma_wait3A_48] : memref<204800x128xf32, #tpu.memory_space<hbm>> -> memref<400x128xf32, #tpu.memory_space<hbm>>
      tpu.wait_dma2 semaphore(%arg11 : memref<!tpu.dma_semaphore, #tpu.memory_space<semaphore_mem>>) src(%arg8 : memref<400x128xf32, #tpu.memory_space<vmem>>) dst(%dma_wait3A_49 : memref<400x128xf32, #tpu.memory_space<hbm>>)
      %dma_wait3A_50 = arith.constant 0 : i32
      %dma_wait3A_51 = tpu.memref_slice %arg4[%add3A_15, %dma_wait3A_50] : memref<204800x128xf32, #tpu.memory_space<hbm>> -> memref<400x128xf32, #tpu.memory_space<hbm>>
      %dma_wait3A_52 = arith.constant 0 : i32
      %dma_wait3A_53 = tpu.memref_slice %arg4[%add3A_15, %dma_wait3A_52] : memref<204800x128xf32, #tpu.memory_space<hbm>> -> memref<400x128xf32, #tpu.memory_space<hbm>>
      tpu.wait_dma2 semaphore(%arg11 : memref<!tpu.dma_semaphore, #tpu.memory_space<semaphore_mem>>) src(%arg9 : memref<400x128xf32, #tpu.memory_space<vmem>>) dst(%dma_wait3A_53 : memref<400x128xf32, #tpu.memory_space<hbm>>)
      %dma_wait3A_54 = arith.constant 0 : i32
      %dma_wait3A_55 = tpu.memref_slice %arg5[%add3A_15, %dma_wait3A_54] : memref<204800x128xf32, #tpu.memory_space<hbm>> -> memref<400x128xf32, #tpu.memory_space<hbm>>
      %dma_wait3A_56 = arith.constant 0 : i32
      %dma_wait3A_57 = tpu.memref_slice %arg5[%add3A_15, %dma_wait3A_56] : memref<204800x128xf32, #tpu.memory_space<hbm>> -> memref<400x128xf32, #tpu.memory_space<hbm>>
      tpu.wait_dma2 semaphore(%arg11 : memref<!tpu.dma_semaphore, #tpu.memory_space<semaphore_mem>>) src(%arg9 : memref<400x128xf32, #tpu.memory_space<vmem>>) dst(%dma_wait3A_57 : memref<400x128xf32, #tpu.memory_space<hbm>>)
    }
    %scan3A_7 = arith.constant 8 : i32
    return
  }
}

#map = affine_map<(d0, d1) -> (0)>
#map1 = affine_map<(d0, d1) -> (0, 0)>
module attributes {stable_mosaic.version = 14 : i64} {
  func.func @sc_gather(%arg0: i32, %arg1: i32, %arg2: memref<28672xi32, #tpu.memory_space<hbm>>, %arg3: memref<15463x128xf32, #tpu.memory_space<hbm>>, %arg4: memref<28672x128xf32, #tpu.memory_space<hbm>>, %arg5: memref<28672x128xf32, #tpu.memory_space<hbm>>, %arg6: memref<448xi32, #tpu.memory_space<vmem>>, %arg7: memref<448xi32, #tpu.memory_space<vmem>>, %arg8: memref<448x128xf32, #tpu.memory_space<vmem>>, %arg9: memref<448x128xf32, #tpu.memory_space<vmem>>, %arg10: memref<!tpu.dma_semaphore, #tpu.memory_space<semaphore_mem>>, %arg11: memref<!tpu.dma_semaphore, #tpu.memory_space<semaphore_mem>>) attributes {dimension_semantics = [#tpu.dimension_semantics<core_parallel>, #tpu.dimension_semantics<subcore_parallel>], iteration_bounds = array<i64: 2, 16>, scalar_prefetch = 0 : i64, scratch_operands = 6 : i64, tpu.core_type = #tpu.core_type<sc_vector_subcore>, window_params = [{transform_indices = #map}, {transform_indices = #map1}, {transform_indices = #map1}, {transform_indices = #map1}]} {
    %mul3A = arith.constant 2 : i32
    %mul3A_0 = arith.muli %arg1, %mul3A : i32
    %add3A = arith.addi %mul3A_0, %arg0 : i32
    %mul3A_1 = arith.constant 896 : i32
    %mul3A_2 = arith.muli %add3A, %mul3A_1 : i32
    %add3A_3 = arith.constant 448 : i32
    %add3A_4 = arith.addi %mul3A_2, %add3A_3 : i32
    "tpu.region"() ({
      %run_scoped3A = tpu.sem_alloc : memref<!tpu.dma_semaphore, #tpu.memory_space<semaphore_mem>>
      %dma_start3A_47 = tpu.memref_slice %arg2[%mul3A_2] : memref<28672xi32, #tpu.memory_space<hbm>> -> memref<448xi32, #tpu.memory_space<hbm>>
      %dma_start3A_48 = tpu.memref_slice %arg2[%mul3A_2] : memref<28672xi32, #tpu.memory_space<hbm>> -> memref<448xi32, #tpu.memory_space<hbm>>
      tpu.enqueue_dma source(%dma_start3A_48 : memref<448xi32, #tpu.memory_space<hbm>>) target(%arg6 : memref<448xi32, #tpu.memory_space<vmem>>) target_semaphore(%run_scoped3A : memref<!tpu.dma_semaphore, #tpu.memory_space<semaphore_mem>>)
      %dma_wait3A_49 = tpu.memref_slice %arg2[%mul3A_2] : memref<28672xi32, #tpu.memory_space<hbm>> -> memref<448xi32, #tpu.memory_space<hbm>>
      %dma_wait3A_50 = tpu.memref_slice %arg2[%mul3A_2] : memref<28672xi32, #tpu.memory_space<hbm>> -> memref<448xi32, #tpu.memory_space<hbm>>
      tpu.wait_dma2 semaphore(%run_scoped3A : memref<!tpu.dma_semaphore, #tpu.memory_space<semaphore_mem>>) src(%dma_wait3A_50 : memref<448xi32, #tpu.memory_space<hbm>>) dst(%arg6 : memref<448xi32, #tpu.memory_space<vmem>>)
      tpu.yield
    }) : () -> ()
    %dma_start3A = arith.constant 0 : i32
    %dma_start3A_5 = arith.constant 0 : i32
    %dma_start3A_6 = tpu.memref_slice %arg3[%dma_start3A, %dma_start3A_5] : memref<15463x128xf32, #tpu.memory_space<hbm>> -> memref<15463x128xf32, #tpu.memory_space<hbm>>
    tpu.enqueue_indirect_dma source(%dma_start3A_6 : memref<15463x128xf32, #tpu.memory_space<hbm>>) target(%arg8 : memref<448x128xf32, #tpu.memory_space<vmem>>) offsets(%arg6 : memref<448xi32, #tpu.memory_space<vmem>>) semaphore(%arg10 : memref<!tpu.dma_semaphore, #tpu.memory_space<semaphore_mem>>)
    "tpu.region"() ({
      %run_scoped3A = tpu.sem_alloc : memref<!tpu.dma_semaphore, #tpu.memory_space<semaphore_mem>>
      %dma_start3A_47 = tpu.memref_slice %arg2[%add3A_4] : memref<28672xi32, #tpu.memory_space<hbm>> -> memref<448xi32, #tpu.memory_space<hbm>>
      %dma_start3A_48 = tpu.memref_slice %arg2[%add3A_4] : memref<28672xi32, #tpu.memory_space<hbm>> -> memref<448xi32, #tpu.memory_space<hbm>>
      tpu.enqueue_dma source(%dma_start3A_48 : memref<448xi32, #tpu.memory_space<hbm>>) target(%arg7 : memref<448xi32, #tpu.memory_space<vmem>>) target_semaphore(%run_scoped3A : memref<!tpu.dma_semaphore, #tpu.memory_space<semaphore_mem>>)
      %dma_wait3A_49 = tpu.memref_slice %arg2[%add3A_4] : memref<28672xi32, #tpu.memory_space<hbm>> -> memref<448xi32, #tpu.memory_space<hbm>>
      %dma_wait3A_50 = tpu.memref_slice %arg2[%add3A_4] : memref<28672xi32, #tpu.memory_space<hbm>> -> memref<448xi32, #tpu.memory_space<hbm>>
      tpu.wait_dma2 semaphore(%run_scoped3A : memref<!tpu.dma_semaphore, #tpu.memory_space<semaphore_mem>>) src(%dma_wait3A_50 : memref<448xi32, #tpu.memory_space<hbm>>) dst(%arg7 : memref<448xi32, #tpu.memory_space<vmem>>)
      tpu.yield
    }) : () -> ()
    %dma_start3A_7 = arith.constant 0 : i32
    %dma_start3A_8 = arith.constant 0 : i32
    %dma_start3A_9 = tpu.memref_slice %arg3[%dma_start3A_7, %dma_start3A_8] : memref<15463x128xf32, #tpu.memory_space<hbm>> -> memref<15463x128xf32, #tpu.memory_space<hbm>>
    tpu.enqueue_indirect_dma source(%dma_start3A_9 : memref<15463x128xf32, #tpu.memory_space<hbm>>) target(%arg9 : memref<448x128xf32, #tpu.memory_space<vmem>>) offsets(%arg7 : memref<448xi32, #tpu.memory_space<vmem>>) semaphore(%arg10 : memref<!tpu.dma_semaphore, #tpu.memory_space<semaphore_mem>>)
    %dma_wait3A = arith.constant 0 : i32
    %dma_wait3A_10 = arith.constant 0 : i32
    %dma_wait3A_11 = tpu.memref_slice %arg3[%dma_wait3A, %dma_wait3A_10] : memref<15463x128xf32, #tpu.memory_space<hbm>> -> memref<15463x128xf32, #tpu.memory_space<hbm>>
    tpu.wait_indirect_dma semaphore(%arg10 : memref<!tpu.dma_semaphore, #tpu.memory_space<semaphore_mem>>) src(%dma_wait3A_11 : memref<15463x128xf32, #tpu.memory_space<hbm>>) dst(%arg8 : memref<448x128xf32, #tpu.memory_space<vmem>>)
    %dma_start3A_12 = arith.constant 0 : i32
    %dma_start3A_13 = tpu.memref_slice %arg4[%mul3A_2, %dma_start3A_12] : memref<28672x128xf32, #tpu.memory_space<hbm>> -> memref<448x128xf32, #tpu.memory_space<hbm>>
    %dma_start3A_14 = arith.constant 0 : i32
    %dma_start3A_15 = tpu.memref_slice %arg4[%mul3A_2, %dma_start3A_14] : memref<28672x128xf32, #tpu.memory_space<hbm>> -> memref<448x128xf32, #tpu.memory_space<hbm>>
    tpu.enqueue_dma source(%arg8 : memref<448x128xf32, #tpu.memory_space<vmem>>) target(%dma_start3A_15 : memref<448x128xf32, #tpu.memory_space<hbm>>) target_semaphore(%arg11 : memref<!tpu.dma_semaphore, #tpu.memory_space<semaphore_mem>>)
    %dma_start3A_16 = arith.constant 0 : i32
    %dma_start3A_17 = tpu.memref_slice %arg5[%mul3A_2, %dma_start3A_16] : memref<28672x128xf32, #tpu.memory_space<hbm>> -> memref<448x128xf32, #tpu.memory_space<hbm>>
    %dma_start3A_18 = arith.constant 0 : i32
    %dma_start3A_19 = tpu.memref_slice %arg5[%mul3A_2, %dma_start3A_18] : memref<28672x128xf32, #tpu.memory_space<hbm>> -> memref<448x128xf32, #tpu.memory_space<hbm>>
    tpu.enqueue_dma source(%arg8 : memref<448x128xf32, #tpu.memory_space<vmem>>) target(%dma_start3A_19 : memref<448x128xf32, #tpu.memory_space<hbm>>) target_semaphore(%arg11 : memref<!tpu.dma_semaphore, #tpu.memory_space<semaphore_mem>>)
    %dma_wait3A_20 = arith.constant 0 : i32
    %dma_wait3A_21 = arith.constant 0 : i32
    %dma_wait3A_22 = tpu.memref_slice %arg3[%dma_wait3A_20, %dma_wait3A_21] : memref<15463x128xf32, #tpu.memory_space<hbm>> -> memref<15463x128xf32, #tpu.memory_space<hbm>>
    tpu.wait_indirect_dma semaphore(%arg10 : memref<!tpu.dma_semaphore, #tpu.memory_space<semaphore_mem>>) src(%dma_wait3A_22 : memref<15463x128xf32, #tpu.memory_space<hbm>>) dst(%arg9 : memref<448x128xf32, #tpu.memory_space<vmem>>)
    %dma_start3A_23 = arith.constant 0 : i32
    %dma_start3A_24 = tpu.memref_slice %arg4[%add3A_4, %dma_start3A_23] : memref<28672x128xf32, #tpu.memory_space<hbm>> -> memref<448x128xf32, #tpu.memory_space<hbm>>
    %dma_start3A_25 = arith.constant 0 : i32
    %dma_start3A_26 = tpu.memref_slice %arg4[%add3A_4, %dma_start3A_25] : memref<28672x128xf32, #tpu.memory_space<hbm>> -> memref<448x128xf32, #tpu.memory_space<hbm>>
    tpu.enqueue_dma source(%arg9 : memref<448x128xf32, #tpu.memory_space<vmem>>) target(%dma_start3A_26 : memref<448x128xf32, #tpu.memory_space<hbm>>) target_semaphore(%arg11 : memref<!tpu.dma_semaphore, #tpu.memory_space<semaphore_mem>>)
    %dma_start3A_27 = arith.constant 0 : i32
    %dma_start3A_28 = tpu.memref_slice %arg5[%add3A_4, %dma_start3A_27] : memref<28672x128xf32, #tpu.memory_space<hbm>> -> memref<448x128xf32, #tpu.memory_space<hbm>>
    %dma_start3A_29 = arith.constant 0 : i32
    %dma_start3A_30 = tpu.memref_slice %arg5[%add3A_4, %dma_start3A_29] : memref<28672x128xf32, #tpu.memory_space<hbm>> -> memref<448x128xf32, #tpu.memory_space<hbm>>
    tpu.enqueue_dma source(%arg9 : memref<448x128xf32, #tpu.memory_space<vmem>>) target(%dma_start3A_30 : memref<448x128xf32, #tpu.memory_space<hbm>>) target_semaphore(%arg11 : memref<!tpu.dma_semaphore, #tpu.memory_space<semaphore_mem>>)
    %dma_wait3A_31 = arith.constant 0 : i32
    %dma_wait3A_32 = tpu.memref_slice %arg4[%mul3A_2, %dma_wait3A_31] : memref<28672x128xf32, #tpu.memory_space<hbm>> -> memref<448x128xf32, #tpu.memory_space<hbm>>
    %dma_wait3A_33 = arith.constant 0 : i32
    %dma_wait3A_34 = tpu.memref_slice %arg4[%mul3A_2, %dma_wait3A_33] : memref<28672x128xf32, #tpu.memory_space<hbm>> -> memref<448x128xf32, #tpu.memory_space<hbm>>
    tpu.wait_dma2 semaphore(%arg11 : memref<!tpu.dma_semaphore, #tpu.memory_space<semaphore_mem>>) src(%arg8 : memref<448x128xf32, #tpu.memory_space<vmem>>) dst(%dma_wait3A_34 : memref<448x128xf32, #tpu.memory_space<hbm>>)
    %dma_wait3A_35 = arith.constant 0 : i32
    %dma_wait3A_36 = tpu.memref_slice %arg5[%mul3A_2, %dma_wait3A_35] : memref<28672x128xf32, #tpu.memory_space<hbm>> -> memref<448x128xf32, #tpu.memory_space<hbm>>
    %dma_wait3A_37 = arith.constant 0 : i32
    %dma_wait3A_38 = tpu.memref_slice %arg5[%mul3A_2, %dma_wait3A_37] : memref<28672x128xf32, #tpu.memory_space<hbm>> -> memref<448x128xf32, #tpu.memory_space<hbm>>
    tpu.wait_dma2 semaphore(%arg11 : memref<!tpu.dma_semaphore, #tpu.memory_space<semaphore_mem>>) src(%arg8 : memref<448x128xf32, #tpu.memory_space<vmem>>) dst(%dma_wait3A_38 : memref<448x128xf32, #tpu.memory_space<hbm>>)
    %dma_wait3A_39 = arith.constant 0 : i32
    %dma_wait3A_40 = tpu.memref_slice %arg4[%add3A_4, %dma_wait3A_39] : memref<28672x128xf32, #tpu.memory_space<hbm>> -> memref<448x128xf32, #tpu.memory_space<hbm>>
    %dma_wait3A_41 = arith.constant 0 : i32
    %dma_wait3A_42 = tpu.memref_slice %arg4[%add3A_4, %dma_wait3A_41] : memref<28672x128xf32, #tpu.memory_space<hbm>> -> memref<448x128xf32, #tpu.memory_space<hbm>>
    tpu.wait_dma2 semaphore(%arg11 : memref<!tpu.dma_semaphore, #tpu.memory_space<semaphore_mem>>) src(%arg9 : memref<448x128xf32, #tpu.memory_space<vmem>>) dst(%dma_wait3A_42 : memref<448x128xf32, #tpu.memory_space<hbm>>)
    %dma_wait3A_43 = arith.constant 0 : i32
    %dma_wait3A_44 = tpu.memref_slice %arg5[%add3A_4, %dma_wait3A_43] : memref<28672x128xf32, #tpu.memory_space<hbm>> -> memref<448x128xf32, #tpu.memory_space<hbm>>
    %dma_wait3A_45 = arith.constant 0 : i32
    %dma_wait3A_46 = tpu.memref_slice %arg5[%add3A_4, %dma_wait3A_45] : memref<28672x128xf32, #tpu.memory_space<hbm>> -> memref<448x128xf32, #tpu.memory_space<hbm>>
    tpu.wait_dma2 semaphore(%arg11 : memref<!tpu.dma_semaphore, #tpu.memory_space<semaphore_mem>>) src(%arg9 : memref<448x128xf32, #tpu.memory_space<vmem>>) dst(%dma_wait3A_46 : memref<448x128xf32, #tpu.memory_space<hbm>>)
    return
  }
}

#map = affine_map<(d0, d1) -> (0)>
#map1 = affine_map<(d0, d1) -> (0, 0)>
module attributes {stable_mosaic.version = 14 : i64} {
  func.func @sc_gather(%arg0: i32, %arg1: i32, %arg2: memref<204800xi32, #tpu.memory_space<hbm>>, %arg3: memref<15463x128xf32, #tpu.memory_space<hbm>>, %arg4: memref<204800x128xf32, #tpu.memory_space<hbm>>, %arg5: memref<204800x128xf32, #tpu.memory_space<hbm>>, %arg6: memref<400xi32, #tpu.memory_space<vmem>>, %arg7: memref<400xi32, #tpu.memory_space<vmem>>, %arg8: memref<400x128xf32, #tpu.memory_space<vmem>>, %arg9: memref<400x128xf32, #tpu.memory_space<vmem>>, %arg10: memref<!tpu.dma_semaphore, #tpu.memory_space<semaphore_mem>>, %arg11: memref<!tpu.dma_semaphore, #tpu.memory_space<semaphore_mem>>) attributes {dimension_semantics = [#tpu.dimension_semantics<core_parallel>, #tpu.dimension_semantics<subcore_parallel>], iteration_bounds = array<i64: 2, 16>, scalar_prefetch = 0 : i64, scratch_operands = 6 : i64, tpu.core_type = #tpu.core_type<sc_vector_subcore>, window_params = [{transform_indices = #map}, {transform_indices = #map1}, {transform_indices = #map1}, {transform_indices = #map1}]} {
    %mul3A = arith.constant 2 : i32
    %mul3A_0 = arith.muli %arg1, %mul3A : i32
    %add3A = arith.addi %mul3A_0, %arg0 : i32
    %mul3A_1 = arith.constant 6400 : i32
    %mul3A_2 = arith.muli %add3A, %mul3A_1 : i32
    %scan3A = arith.constant 0 : i32
    %scan3A_3 = arith.constant 0 : i32
    %scan3A_4 = arith.constant 8 : i32
    %scan3A_5 = arith.addi %scan3A_3, %scan3A_4 : i32
    %scan3A_6 = arith.constant 1 : i32
    scf.for %scan3A_8 = %scan3A_3 to %scan3A_5 step %scan3A_6  : i32 {
      %mul3A_9 = arith.constant 2 : i32
      %mul3A_10 = arith.muli %scan3A_8, %mul3A_9 : i32
      %mul3A_11 = arith.constant 400 : i32
      %mul3A_12 = arith.muli %mul3A_10, %mul3A_11 : i32
      %add3A_13 = arith.addi %mul3A_2, %mul3A_12 : i32
      %add3A_14 = arith.constant 400 : i32
      %add3A_15 = arith.addi %add3A_13, %add3A_14 : i32
      "tpu.region"() ({
        %run_scoped3A = tpu.sem_alloc : memref<!tpu.dma_semaphore, #tpu.memory_space<semaphore_mem>>
        %dma_start3A_58 = tpu.memref_slice %arg2[%add3A_13] : memref<204800xi32, #tpu.memory_space<hbm>> -> memref<400xi32, #tpu.memory_space<hbm>>
        %dma_start3A_59 = tpu.memref_slice %arg2[%add3A_13] : memref<204800xi32, #tpu.memory_space<hbm>> -> memref<400xi32, #tpu.memory_space<hbm>>
        tpu.enqueue_dma source(%dma_start3A_59 : memref<400xi32, #tpu.memory_space<hbm>>) target(%arg6 : memref<400xi32, #tpu.memory_space<vmem>>) target_semaphore(%run_scoped3A : memref<!tpu.dma_semaphore, #tpu.memory_space<semaphore_mem>>)
        %dma_wait3A_60 = tpu.memref_slice %arg2[%add3A_13] : memref<204800xi32, #tpu.memory_space<hbm>> -> memref<400xi32, #tpu.memory_space<hbm>>
        %dma_wait3A_61 = tpu.memref_slice %arg2[%add3A_13] : memref<204800xi32, #tpu.memory_space<hbm>> -> memref<400xi32, #tpu.memory_space<hbm>>
        tpu.wait_dma2 semaphore(%run_scoped3A : memref<!tpu.dma_semaphore, #tpu.memory_space<semaphore_mem>>) src(%dma_wait3A_61 : memref<400xi32, #tpu.memory_space<hbm>>) dst(%arg6 : memref<400xi32, #tpu.memory_space<vmem>>)
        tpu.yield
      }) : () -> ()
      %dma_start3A = arith.constant 0 : i32
      %dma_start3A_16 = arith.constant 0 : i32
      %dma_start3A_17 = tpu.memref_slice %arg3[%dma_start3A, %dma_start3A_16] : memref<15463x128xf32, #tpu.memory_space<hbm>> -> memref<15463x128xf32, #tpu.memory_space<hbm>>
      tpu.enqueue_indirect_dma source(%dma_start3A_17 : memref<15463x128xf32, #tpu.memory_space<hbm>>) target(%arg8 : memref<400x128xf32, #tpu.memory_space<vmem>>) offsets(%arg6 : memref<400xi32, #tpu.memory_space<vmem>>) semaphore(%arg10 : memref<!tpu.dma_semaphore, #tpu.memory_space<semaphore_mem>>)
      "tpu.region"() ({
        %run_scoped3A = tpu.sem_alloc : memref<!tpu.dma_semaphore, #tpu.memory_space<semaphore_mem>>
        %dma_start3A_58 = tpu.memref_slice %arg2[%add3A_15] : memref<204800xi32, #tpu.memory_space<hbm>> -> memref<400xi32, #tpu.memory_space<hbm>>
        %dma_start3A_59 = tpu.memref_slice %arg2[%add3A_15] : memref<204800xi32, #tpu.memory_space<hbm>> -> memref<400xi32, #tpu.memory_space<hbm>>
        tpu.enqueue_dma source(%dma_start3A_59 : memref<400xi32, #tpu.memory_space<hbm>>) target(%arg7 : memref<400xi32, #tpu.memory_space<vmem>>) target_semaphore(%run_scoped3A : memref<!tpu.dma_semaphore, #tpu.memory_space<semaphore_mem>>)
        %dma_wait3A_60 = tpu.memref_slice %arg2[%add3A_15] : memref<204800xi32, #tpu.memory_space<hbm>> -> memref<400xi32, #tpu.memory_space<hbm>>
        %dma_wait3A_61 = tpu.memref_slice %arg2[%add3A_15] : memref<204800xi32, #tpu.memory_space<hbm>> -> memref<400xi32, #tpu.memory_space<hbm>>
        tpu.wait_dma2 semaphore(%run_scoped3A : memref<!tpu.dma_semaphore, #tpu.memory_space<semaphore_mem>>) src(%dma_wait3A_61 : memref<400xi32, #tpu.memory_space<hbm>>) dst(%arg7 : memref<400xi32, #tpu.memory_space<vmem>>)
        tpu.yield
      }) : () -> ()
      %dma_start3A_18 = arith.constant 0 : i32
      %dma_start3A_19 = arith.constant 0 : i32
      %dma_start3A_20 = tpu.memref_slice %arg3[%dma_start3A_18, %dma_start3A_19] : memref<15463x128xf32, #tpu.memory_space<hbm>> -> memref<15463x128xf32, #tpu.memory_space<hbm>>
      tpu.enqueue_indirect_dma source(%dma_start3A_20 : memref<15463x128xf32, #tpu.memory_space<hbm>>) target(%arg9 : memref<400x128xf32, #tpu.memory_space<vmem>>) offsets(%arg7 : memref<400xi32, #tpu.memory_space<vmem>>) semaphore(%arg10 : memref<!tpu.dma_semaphore, #tpu.memory_space<semaphore_mem>>)
      %dma_wait3A = arith.constant 0 : i32
      %dma_wait3A_21 = arith.constant 0 : i32
      %dma_wait3A_22 = tpu.memref_slice %arg3[%dma_wait3A, %dma_wait3A_21] : memref<15463x128xf32, #tpu.memory_space<hbm>> -> memref<15463x128xf32, #tpu.memory_space<hbm>>
      tpu.wait_indirect_dma semaphore(%arg10 : memref<!tpu.dma_semaphore, #tpu.memory_space<semaphore_mem>>) src(%dma_wait3A_22 : memref<15463x128xf32, #tpu.memory_space<hbm>>) dst(%arg8 : memref<400x128xf32, #tpu.memory_space<vmem>>)
      %dma_start3A_23 = arith.constant 0 : i32
      %dma_start3A_24 = tpu.memref_slice %arg4[%add3A_13, %dma_start3A_23] : memref<204800x128xf32, #tpu.memory_space<hbm>> -> memref<400x128xf32, #tpu.memory_space<hbm>>
      %dma_start3A_25 = arith.constant 0 : i32
      %dma_start3A_26 = tpu.memref_slice %arg4[%add3A_13, %dma_start3A_25] : memref<204800x128xf32, #tpu.memory_space<hbm>> -> memref<400x128xf32, #tpu.memory_space<hbm>>
      tpu.enqueue_dma source(%arg8 : memref<400x128xf32, #tpu.memory_space<vmem>>) target(%dma_start3A_26 : memref<400x128xf32, #tpu.memory_space<hbm>>) target_semaphore(%arg11 : memref<!tpu.dma_semaphore, #tpu.memory_space<semaphore_mem>>)
      %dma_start3A_27 = arith.constant 0 : i32
      %dma_start3A_28 = tpu.memref_slice %arg5[%add3A_13, %dma_start3A_27] : memref<204800x128xf32, #tpu.memory_space<hbm>> -> memref<400x128xf32, #tpu.memory_space<hbm>>
      %dma_start3A_29 = arith.constant 0 : i32
      %dma_start3A_30 = tpu.memref_slice %arg5[%add3A_13, %dma_start3A_29] : memref<204800x128xf32, #tpu.memory_space<hbm>> -> memref<400x128xf32, #tpu.memory_space<hbm>>
      tpu.enqueue_dma source(%arg8 : memref<400x128xf32, #tpu.memory_space<vmem>>) target(%dma_start3A_30 : memref<400x128xf32, #tpu.memory_space<hbm>>) target_semaphore(%arg11 : memref<!tpu.dma_semaphore, #tpu.memory_space<semaphore_mem>>)
      %dma_wait3A_31 = arith.constant 0 : i32
      %dma_wait3A_32 = arith.constant 0 : i32
      %dma_wait3A_33 = tpu.memref_slice %arg3[%dma_wait3A_31, %dma_wait3A_32] : memref<15463x128xf32, #tpu.memory_space<hbm>> -> memref<15463x128xf32, #tpu.memory_space<hbm>>
      tpu.wait_indirect_dma semaphore(%arg10 : memref<!tpu.dma_semaphore, #tpu.memory_space<semaphore_mem>>) src(%dma_wait3A_33 : memref<15463x128xf32, #tpu.memory_space<hbm>>) dst(%arg9 : memref<400x128xf32, #tpu.memory_space<vmem>>)
      %dma_start3A_34 = arith.constant 0 : i32
      %dma_start3A_35 = tpu.memref_slice %arg4[%add3A_15, %dma_start3A_34] : memref<204800x128xf32, #tpu.memory_space<hbm>> -> memref<400x128xf32, #tpu.memory_space<hbm>>
      %dma_start3A_36 = arith.constant 0 : i32
      %dma_start3A_37 = tpu.memref_slice %arg4[%add3A_15, %dma_start3A_36] : memref<204800x128xf32, #tpu.memory_space<hbm>> -> memref<400x128xf32, #tpu.memory_space<hbm>>
      tpu.enqueue_dma source(%arg9 : memref<400x128xf32, #tpu.memory_space<vmem>>) target(%dma_start3A_37 : memref<400x128xf32, #tpu.memory_space<hbm>>) target_semaphore(%arg11 : memref<!tpu.dma_semaphore, #tpu.memory_space<semaphore_mem>>)
      %dma_start3A_38 = arith.constant 0 : i32
      %dma_start3A_39 = tpu.memref_slice %arg5[%add3A_15, %dma_start3A_38] : memref<204800x128xf32, #tpu.memory_space<hbm>> -> memref<400x128xf32, #tpu.memory_space<hbm>>
      %dma_start3A_40 = arith.constant 0 : i32
      %dma_start3A_41 = tpu.memref_slice %arg5[%add3A_15, %dma_start3A_40] : memref<204800x128xf32, #tpu.memory_space<hbm>> -> memref<400x128xf32, #tpu.memory_space<hbm>>
      tpu.enqueue_dma source(%arg9 : memref<400x128xf32, #tpu.memory_space<vmem>>) target(%dma_start3A_41 : memref<400x128xf32, #tpu.memory_space<hbm>>) target_semaphore(%arg11 : memref<!tpu.dma_semaphore, #tpu.memory_space<semaphore_mem>>)
      %dma_wait3A_42 = arith.constant 0 : i32
      %dma_wait3A_43 = tpu.memref_slice %arg4[%add3A_13, %dma_wait3A_42] : memref<204800x128xf32, #tpu.memory_space<hbm>> -> memref<400x128xf32, #tpu.memory_space<hbm>>
      %dma_wait3A_44 = arith.constant 0 : i32
      %dma_wait3A_45 = tpu.memref_slice %arg4[%add3A_13, %dma_wait3A_44] : memref<204800x128xf32, #tpu.memory_space<hbm>> -> memref<400x128xf32, #tpu.memory_space<hbm>>
      tpu.wait_dma2 semaphore(%arg11 : memref<!tpu.dma_semaphore, #tpu.memory_space<semaphore_mem>>) src(%arg8 : memref<400x128xf32, #tpu.memory_space<vmem>>) dst(%dma_wait3A_45 : memref<400x128xf32, #tpu.memory_space<hbm>>)
      %dma_wait3A_46 = arith.constant 0 : i32
      %dma_wait3A_47 = tpu.memref_slice %arg5[%add3A_13, %dma_wait3A_46] : memref<204800x128xf32, #tpu.memory_space<hbm>> -> memref<400x128xf32, #tpu.memory_space<hbm>>
      %dma_wait3A_48 = arith.constant 0 : i32
      %dma_wait3A_49 = tpu.memref_slice %arg5[%add3A_13, %dma_wait3A_48] : memref<204800x128xf32, #tpu.memory_space<hbm>> -> memref<400x128xf32, #tpu.memory_space<hbm>>
      tpu.wait_dma2 semaphore(%arg11 : memref<!tpu.dma_semaphore, #tpu.memory_space<semaphore_mem>>) src(%arg8 : memref<400x128xf32, #tpu.memory_space<vmem>>) dst(%dma_wait3A_49 : memref<400x128xf32, #tpu.memory_space<hbm>>)
      %dma_wait3A_50 = arith.constant 0 : i32
      %dma_wait3A_51 = tpu.memref_slice %arg4[%add3A_15, %dma_wait3A_50] : memref<204800x128xf32, #tpu.memory_space<hbm>> -> memref<400x128xf32, #tpu.memory_space<hbm>>
      %dma_wait3A_52 = arith.constant 0 : i32
      %dma_wait3A_53 = tpu.memref_slice %arg4[%add3A_15, %dma_wait3A_52] : memref<204800x128xf32, #tpu.memory_space<hbm>> -> memref<400x128xf32, #tpu.memory_space<hbm>>
      tpu.wait_dma2 semaphore(%arg11 : memref<!tpu.dma_semaphore, #tpu.memory_space<semaphore_mem>>) src(%arg9 : memref<400x128xf32, #tpu.memory_space<vmem>>) dst(%dma_wait3A_53 : memref<400x128xf32, #tpu.memory_space<hbm>>)
      %dma_wait3A_54 = arith.constant 0 : i32
      %dma_wait3A_55 = tpu.memref_slice %arg5[%add3A_15, %dma_wait3A_54] : memref<204800x128xf32, #tpu.memory_space<hbm>> -> memref<400x128xf32, #tpu.memory_space<hbm>>
      %dma_wait3A_56 = arith.constant 0 : i32
      %dma_wait3A_57 = tpu.memref_slice %arg5[%add3A_15, %dma_wait3A_56] : memref<204800x128xf32, #tpu.memory_space<hbm>> -> memref<400x128xf32, #tpu.memory_space<hbm>>
      tpu.wait_dma2 semaphore(%arg11 : memref<!tpu.dma_semaphore, #tpu.memory_space<semaphore_mem>>) src(%arg9 : memref<400x128xf32, #tpu.memory_space<vmem>>) dst(%dma_wait3A_57 : memref<400x128xf32, #tpu.memory_space<hbm>>)
    }
    %scan3A_7 = arith.constant 8 : i32
    return
  }
}

module attributes {stable_mosaic.version = 14 : i64} {
  func.func @_proj_body(%arg0: i32, %arg1: memref<4096x128xf32, #tpu.memory_space<vmem>>, %arg2: memref<128x128xf32, #tpu.memory_space<vmem>>, %arg3: memref<1x128xf32, #tpu.memory_space<vmem>>, %arg4: memref<4096x128xf32, #tpu.memory_space<vmem>>, %arg5: memref<4096x128xf32, #tpu.memory_space<vmem>>) attributes {dimension_semantics = [#tpu.dimension_semantics<arbitrary>], iteration_bounds = array<i64: 50>, scalar_prefetch = 0 : i64, scratch_operands = 0 : i64, tpu.core_type = #tpu.core_type<tc>, window_params = [{transform_indices = @transform_0, window_bounds = array<i64: 4096, 128>}, {pipeline_mode = #tpu.pipeline_mode<synchronous>, transform_indices = @transform_1, window_bounds = array<i64: 128, 128>}, {pipeline_mode = #tpu.pipeline_mode<synchronous>, transform_indices = @transform_2, window_bounds = array<i64: 1, 128>}, {transform_indices = @transform_3, window_bounds = array<i64: 4096, 128>}, {transform_indices = @transform_4, window_bounds = array<i64: 4096, 128>}]} {
    %get3A = arith.constant 0 : index
    %get3A_0 = arith.constant 0 : index
    %get3A_1 = vector.load %arg1[%get3A, %get3A_0] : memref<4096x128xf32, #tpu.memory_space<vmem>>, vector<4096x128xf32>
    %max3A = arith.constant 0.000000e+00 : f32
    %max3A_2 = vector.broadcast %max3A : f32 to vector<4096x128xf32>
    %max3A_3 = arith.maximumf %get3A_1, %max3A_2 : vector<4096x128xf32>
    %get3A_4 = arith.constant 0 : index
    %get3A_5 = arith.constant 0 : index
    %get3A_6 = vector.load %arg2[%get3A_4, %get3A_5] : memref<128x128xf32, #tpu.memory_space<vmem>>, vector<128x128xf32>
    %dot_general3A = arith.constant dense<0.000000e+00> : vector<4096x128xf32>
    %dot_general3A_7 = tpu.matmul %max3A_3, %get3A_6, %dot_general3A {dimension_numbers = #tpu.dot_dimension_numbers<[1], [0], [0], [1], [0, 0, 1, 1], [], []>, transpose_lhs_hint = false} : vector<4096x128xf32>, vector<128x128xf32>, vector<4096x128xf32> -> vector<4096x128xf32>
    %get3A_8 = arith.constant 0 : index
    %get3A_9 = arith.constant 0 : index
    %get3A_10 = vector.load %arg3[%get3A_8, %get3A_9] : memref<1x128xf32, #tpu.memory_space<vmem>>, vector<1x128xf32>
    %add3A = vector.broadcast %get3A_10 : vector<1x128xf32> to vector<4096x128xf32>
    %add3A_11 = arith.addf %dot_general3A_7, %add3A : vector<4096x128xf32>
    %swap3A = arith.constant 0 : index
    %swap3A_12 = arith.constant 0 : index
    %swap3A_13 = vector.load %arg4[%swap3A, %swap3A_12] : memref<4096x128xf32, #tpu.memory_space<vmem>>, vector<4096x128xf32>
    tpu.vector_store %arg4[%swap3A, %swap3A_12], %add3A_11 {strides = array<i32>} : memref<4096x128xf32, #tpu.memory_space<vmem>>, vector<4096x128xf32>,
    %swap3A_14 = arith.constant 0 : index
    %swap3A_15 = arith.constant 0 : index
    %swap3A_16 = vector.load %arg5[%swap3A_14, %swap3A_15] : memref<4096x128xf32, #tpu.memory_space<vmem>>, vector<4096x128xf32>
    tpu.vector_store %arg5[%swap3A_14, %swap3A_15], %add3A_11 {strides = array<i32>} : memref<4096x128xf32, #tpu.memory_space<vmem>>, vector<4096x128xf32>,
    return
  }
  func.func @transform_0(%arg0: i32) -> (i32, i32) {
    %c0_i32 = arith.constant 0 : i32
    %c0_i32_0 = arith.constant 0 : i32
    return %arg0, %c0_i32 : i32, i32
  }
  func.func @transform_1(%arg0: i32) -> (i32, i32) {
    %c0_i32 = arith.constant 0 : i32
    %c0_i32_0 = arith.constant 0 : i32
    %c0_i32_1 = arith.constant 0 : i32
    return %c0_i32, %c0_i32_0 : i32, i32
  }
  func.func @transform_2(%arg0: i32) -> (i32, i32) {
    %c0_i32 = arith.constant 0 : i32
    %c0_i32_0 = arith.constant 0 : i32
    %c0_i32_1 = arith.constant 0 : i32
    return %c0_i32, %c0_i32_0 : i32, i32
  }
  func.func @transform_3(%arg0: i32) -> (i32, i32) {
    %c0_i32 = arith.constant 0 : i32
    %c0_i32_0 = arith.constant 0 : i32
    return %arg0, %c0_i32 : i32, i32
  }
  func.func @transform_4(%arg0: i32) -> (i32, i32) {
    %c0_i32 = arith.constant 0 : i32
    %c0_i32_0 = arith.constant 0 : i32
    return %arg0, %c0_i32 : i32, i32
  }
}

module attributes {stable_mosaic.version = 14 : i64} {
  func.func @_proj_body(%arg0: i32, %arg1: memref<4096x128xf32, #tpu.memory_space<vmem>>, %arg2: memref<128x128xf32, #tpu.memory_space<vmem>>, %arg3: memref<1x128xf32, #tpu.memory_space<vmem>>, %arg4: memref<4096x128xf32, #tpu.memory_space<vmem>>, %arg5: memref<4096x128xf32, #tpu.memory_space<vmem>>) attributes {dimension_semantics = [#tpu.dimension_semantics<arbitrary>], iteration_bounds = array<i64: 7>, scalar_prefetch = 0 : i64, scratch_operands = 0 : i64, tpu.core_type = #tpu.core_type<tc>, window_params = [{transform_indices = @transform_0, window_bounds = array<i64: 4096, 128>}, {pipeline_mode = #tpu.pipeline_mode<synchronous>, transform_indices = @transform_1, window_bounds = array<i64: 128, 128>}, {pipeline_mode = #tpu.pipeline_mode<synchronous>, transform_indices = @transform_2, window_bounds = array<i64: 1, 128>}, {transform_indices = @transform_3, window_bounds = array<i64: 4096, 128>}, {transform_indices = @transform_4, window_bounds = array<i64: 4096, 128>}]} {
    %get3A = arith.constant 0 : index
    %get3A_0 = arith.constant 0 : index
    %get3A_1 = vector.load %arg1[%get3A, %get3A_0] : memref<4096x128xf32, #tpu.memory_space<vmem>>, vector<4096x128xf32>
    %max3A = arith.constant 0.000000e+00 : f32
    %max3A_2 = vector.broadcast %max3A : f32 to vector<4096x128xf32>
    %max3A_3 = arith.maximumf %get3A_1, %max3A_2 : vector<4096x128xf32>
    %get3A_4 = arith.constant 0 : index
    %get3A_5 = arith.constant 0 : index
    %get3A_6 = vector.load %arg2[%get3A_4, %get3A_5] : memref<128x128xf32, #tpu.memory_space<vmem>>, vector<128x128xf32>
    %dot_general3A = arith.constant dense<0.000000e+00> : vector<4096x128xf32>
    %dot_general3A_7 = tpu.matmul %max3A_3, %get3A_6, %dot_general3A {dimension_numbers = #tpu.dot_dimension_numbers<[1], [0], [0], [1], [0, 0, 1, 1], [], []>, transpose_lhs_hint = false} : vector<4096x128xf32>, vector<128x128xf32>, vector<4096x128xf32> -> vector<4096x128xf32>
    %get3A_8 = arith.constant 0 : index
    %get3A_9 = arith.constant 0 : index
    %get3A_10 = vector.load %arg3[%get3A_8, %get3A_9] : memref<1x128xf32, #tpu.memory_space<vmem>>, vector<1x128xf32>
    %add3A = vector.broadcast %get3A_10 : vector<1x128xf32> to vector<4096x128xf32>
    %add3A_11 = arith.addf %dot_general3A_7, %add3A : vector<4096x128xf32>
    %swap3A = arith.constant 0 : index
    %swap3A_12 = arith.constant 0 : index
    %swap3A_13 = vector.load %arg4[%swap3A, %swap3A_12] : memref<4096x128xf32, #tpu.memory_space<vmem>>, vector<4096x128xf32>
    tpu.vector_store %arg4[%swap3A, %swap3A_12], %add3A_11 {strides = array<i32>} : memref<4096x128xf32, #tpu.memory_space<vmem>>, vector<4096x128xf32>,
    %swap3A_14 = arith.constant 0 : index
    %swap3A_15 = arith.constant 0 : index
    %swap3A_16 = vector.load %arg5[%swap3A_14, %swap3A_15] : memref<4096x128xf32, #tpu.memory_space<vmem>>, vector<4096x128xf32>
    tpu.vector_store %arg5[%swap3A_14, %swap3A_15], %add3A_11 {strides = array<i32>} : memref<4096x128xf32, #tpu.memory_space<vmem>>, vector<4096x128xf32>,
    return
  }
  func.func @transform_0(%arg0: i32) -> (i32, i32) {
    %c0_i32 = arith.constant 0 : i32
    %c0_i32_0 = arith.constant 0 : i32
    return %arg0, %c0_i32 : i32, i32
  }
  func.func @transform_1(%arg0: i32) -> (i32, i32) {
    %c0_i32 = arith.constant 0 : i32
    %c0_i32_0 = arith.constant 0 : i32
    %c0_i32_1 = arith.constant 0 : i32
    return %c0_i32, %c0_i32_0 : i32, i32
  }
  func.func @transform_2(%arg0: i32) -> (i32, i32) {
    %c0_i32 = arith.constant 0 : i32
    %c0_i32_0 = arith.constant 0 : i32
    %c0_i32_1 = arith.constant 0 : i32
    return %c0_i32, %c0_i32_0 : i32, i32
  }
  func.func @transform_3(%arg0: i32) -> (i32, i32) {
    %c0_i32 = arith.constant 0 : i32
    %c0_i32_0 = arith.constant 0 : i32
    return %arg0, %c0_i32 : i32, i32
  }
  func.func @transform_4(%arg0: i32) -> (i32, i32) {
    %c0_i32 = arith.constant 0 : i32
    %c0_i32_0 = arith.constant 0 : i32
    return %arg0, %c0_i32 : i32, i32
  }
}

</mosaic_0001>

<sc_bundles>
// kernel: kernel.10.cloned.1.call-start
scs
__scs_entry_jumppad:
0x0: {  	(pc) =	sbr.rel $0x88, $3  }
0x1: {  	(tag) =	ssettag $0x0;
	lr =	simm.s32 $0x1  }
0x2: {  	[smem:$0x3F9A] =	sst lr;
	_ =	strace $0xD0000000  }
0x3: {  	_ = 	snop  }
0x4: {  	_ = 	snop  }
0x5: {  	_ = 	snop  }
0x6: {  	_ = 	snop  }
0x7: {  	_ = 	snop  }
__scs_overlays_trampoline_lowered:
0x8: {  	[smem:$0x3FA9] =	sst s0  }
0x9: {  	[smem:$0x3FAA] =	sst s1  }
0xa: {  	[smem:$0x3FAB] =	sst s2  }
0xb: {  	[smem:$0x3FAC] =	sst s3  }
0xc: {  	[smem:$0x3FAD] =	sst s4  }
0xd: {  	[smem:$0x3FAE] =	sst s5  }
0xe: {  	[smem:$0x3FAF] =	sst s6  }
0xf: {  	[smem:$0x3FB0] =	sst s7  }
0x10: {  	[smem:$0x3FB1] =	sst s8  }
0x11: {  	[smem:$0x3FB2] =	sst s9;
	s0 =	simm.s32 @!p0 $0x0  }
0x12: {  	s1 =	sld [smem:$0x3F98];
	s0 =	simm.s32 @p0 $0x1  }
0x13: {  	[smem:$0x3FB3] =	sst s0;
	s0 =	simm.s32 @!p1 $0x0  }
0x14: {  	s2 =	sld [smem:$0x3F97];
	s0 =	simm.s32 @p1 $0x1  }
0x15: {  	[smem:$0x3FB4] =	sst s0;
	s0 =	simm.s32 @!p2 $0x0  }
0x16: {  	s3 =	sld [smem:$0x3FDB];
	s0 =	simm.s32 @p2 $0x1  }
0x17: {  	s4 =	simm.s32 $0x1BF5;
	[smem:$0x3FB6] =	sst s0  }
0x18: {  	s0 =	sld [smem:$0x3F99];
	_ =	swait.ge [sflag:s4], $0x0  }
0x19: {  	s7 =	sld [smem:$0x3F9A]  }
0x1a: {  	s8 =	sadd.s32 $0xFFFFE003, lr  }
0x1b: {  	s9 =	sadd.s32 $0xFFFFFEF7, lr;
	s5 =	simm.s32 $0xFFFFFFFF;
	p2 =	slt.u32 s8, $0xFFFFF086  }
0x1c: {  	p1 =	slt.u32 s9, $0xF7A;
	s5 =	simm.s32 @!p2 $0x0  }
0x1d: {  	s5 =	simm.s32 @p1 $0x1;
	p0 =	seq.s32 s7, s2  }
0x1e: {  	s7 =	smul.u32 @!p0 $0xF7A, s2;
	p2 =	seq.s32 @!p0 s5, $0x0  }
0x1f: {  	s9 =	smul.u32 $0xF7A, s1;
	s8 =	simm.s32 @!p0 $0x1BF5;
	p2 =	por !p2, p0  }
0x20: {  	[sflag:s8] =	ssyncset.s32 @!p0 $0xFFFFF086;
	s6 =	sadd.s32 @!p0 s3, s7;
	s7 =	simm.s32 @!p0 $0x108  }
0x21: {  	s3 =	sadd.s32 s3, s9;
	s6 =	sadd.s32 @!p0 $0x88, s6;
	s7 =	simm.s32 @p2 $0x1082  }
0x22: {  	[simem:s7], [sflag:s8] =	dma.local @!p0 [hbm:s6], $0xF7A  }
0x23: {  	s9 =	sor.u32 $0xD0000000, s2;
	s6 =	simm.s32 $0x108;
	_ =	swait.ge @!p0 [sflag:s8], $0x0  }
0x24: {  	s3 =	sadd.s32 $0x88, s3;
	s6 =	simm.s32 @!p1 $0x1082;
	[sflag:s4] =	ssyncset.s32 $0xFFFFF086  }
0x25: {  	[simem:s6], [sflag:s4] =	dma.local [hbm:s3], $0xF7A  }
0x26: {  	[smem:$0x3F9A] =	sst s1;
	(tag) =	ssettag s2;
	_ =	strace s9  }
0x27: {  	s1 =	sld [smem:$0x3FAA]  }
0x28: {  	s2 =	sld [smem:$0x3FAB]  }
0x29: {  	s4 =	sld [smem:$0x3FAD]  }
0x2a: {  	p0 =	seq.s32 s5, $0x0;
	s5 =	sld [smem:$0x3FAE]  }
0x2b: {  	s6 =	sld [smem:$0x3FAF]  }
0x2c: {  	s7 =	sld [smem:$0x3FB0]  }
0x2d: {  	s3 =	simm.s32 $0x108;
	s8 =	sld [smem:$0x3FB1]  }
0x2e: {  	s3 =	simm.s32 @!p0 $0x1082;
	s9 =	sld [smem:$0x3FB2]  }
0x2f: {  	lr =	sadd.s32 s0, s3;
	s0 =	sld [smem:$0x3FA9]  }
0x30: {  	s3 =	sld [smem:$0x3FAC]  }
0x31: {  	[smem:$0x3FB5] =	sst s10  }
0x32: {  	s10 =	sld [smem:$0x3FB3];
	_ =	sdelay $0x3  }
0x33: {  	p0 =	seq.s32 s10, $0x1;
	s10 =	sld [smem:$0x3FB5];
	_ =	sdelay $0x3  }
0x34: {  	[smem:$0x3FB5] =	sst s10  }
0x35: {  	s10 =	sld [smem:$0x3FB4];
	_ =	sdelay $0x3  }
0x36: {  	p1 =	seq.s32 s10, $0x1;
	s10 =	sld [smem:$0x3FB5];
	_ =	sdelay $0x3  }
0x37: {  	[smem:$0x3FB5] =	sst s10  }
0x38: {  	s10 =	sld [smem:$0x3FB6]  }
0x39: {  	_ = 	snop;
	(pc) =	sbr.ind lr, $3  }
0x3a: {  	_ = 	snop  }
0x3b: {  	_ = 	snop  }
0x3c: {  	p2 =	seq.s32 s10, $0x1;
	s10 =	sld [smem:$0x3FB5]  }
0x3d: {  	_ =	shalt  }
0x3e: {  	_ =	shalt  }
0x3f: {  	_ =	shalt  }
0x40: {  	_ =	shalt  }
0x41: {  	_ =	shalt  }
0x42: {  	_ =	shalt  }
0x43: {  	_ =	shalt  }
0x44: {  	_ =	shalt  }
0x45: {  	_ =	shalt  }
0x46: {  	_ =	shalt  }
0x47: {  	_ =	shalt  }
0x48: {  	_ =	shalt  }
0x49: {  	_ =	shalt  }
0x4a: {  	_ =	shalt  }
0x4b: {  	_ =	shalt  }
0x4c: {  	_ =	shalt  }
0x4d: {  	_ =	shalt  }
0x4e: {  	_ =	shalt  }
0x4f: {  	_ =	shalt  }
0x50: {  	_ =	shalt  }
0x51: {  	_ =	shalt  }
0x52: {  	_ =	shalt  }
0x53: {  	_ =	shalt  }
0x54: {  	_ =	shalt  }
0x55: {  	_ =	shalt  }
0x56: {  	_ =	shalt  }
0x57: {  	_ =	shalt  }
0x58: {  	_ =	shalt  }
0x59: {  	_ =	shalt  }
0x5a: {  	_ =	shalt  }
0x5b: {  	_ =	shalt  }
0x5c: {  	_ =	shalt  }
0x5d: {  	_ =	shalt  }
0x5e: {  	_ =	shalt  }
0x5f: {  	_ =	shalt  }
0x60: {  	_ =	shalt  }
0x61: {  	_ =	shalt  }
0x62: {  	_ =	shalt  }
0x63: {  	_ =	shalt  }
0x64: {  	_ =	shalt  }
0x65: {  	_ =	shalt  }
0x66: {  	_ =	shalt  }
0x67: {  	_ =	shalt  }
0x68: {  	_ =	shalt  }
0x69: {  	_ =	shalt  }
0x6a: {  	_ =	shalt  }
0x6b: {  	_ =	shalt  }
0x6c: {  	_ =	shalt  }
0x6d: {  	_ =	shalt  }
0x6e: {  	_ =	shalt  }
0x6f: {  	_ =	shalt  }
0x70: {  	_ =	shalt  }
0x71: {  	_ =	shalt  }
0x72: {  	_ =	shalt  }
0x73: {  	_ =	shalt  }
0x74: {  	_ =	shalt  }
0x75: {  	_ =	shalt  }
0x76: {  	_ =	shalt  }
0x77: {  	_ =	shalt  }
0x78: {  	_ =	shalt  }
0x79: {  	_ =	shalt  }
0x7a: {  	_ =	shalt  }
0x7b: {  	_ =	shalt  }
0x7c: {  	_ =	shalt  }
0x7d: {  	_ =	shalt  }
0x7e: {  	_ =	shalt  }
0x7f: {  	_ =	shalt  }
0x80: {  	_ =	shalt  }
0x81: {  	_ =	shalt  }
0x82: {  	_ =	shalt  }
0x83: {  	_ =	shalt  }
0x84: {  	_ =	shalt  }
0x85: {  	_ =	shalt  }
0x86: {  	_ =	shalt  }
0x87: {  	_ =	shalt  }
.Lfunc_end0:
.L_simem_size_0:
called_computation_lowered:
.L_overlay_start_0:
0x88: {  	s2 =	sld [smem:$0x3FD9]  }
0x89: {  	s3 =	sld [smem:$0x3FFE];
	_ =	sdelay $0x1  }
0x8a: {  	s1 =	srdreg.scid  }
0x8b: {  	s0 =	sand.u32 $0x1, s1  }
0x8c: {  	s15 =	sshll.u32 s0, $0xA;
	s2 =	sadd.s32 s3, s2  }
0x8d: {  	s2 =	sadd.s32 s2, s15  }
0x8e: {  	[smem:$0x3FC1] =	sst s2  }
0x8f: {  	_ = 	snop  }
0x90: {  	s4 =	sld [smem:$0x3FD0];
	_ =	sdelay $0x2  }
0x91: {  	s6 =	simm.s32 $0xD  }
0x92: {  	s7 =	simm.s32 $0x10;
	s2 =	sld [smem:$0x3FC5];
	s16 =	sadd.s32 $0x1, s4  }
0x93: {  	[smem:s7], [sflag:s6] =	dma.local [hbm:s16], $0x1  }
0x94: {  	_ =	swait.eq [sflag:s6], $0x1  }
0x95: {  	[sflag:s6] =	ssyncset.done $0x0  }
0x96: {  	s17 =	sld [smem:$0x11];
	[sflag:s6] =	ssyncadd.s32 $0xFFFFFFFF  }
0x97: {  	s5 =	sld [smem:$0x15]  }
0x98: {  	[smem:s7], [sflag:s6] =	dma.local [hbm:s4], $0x1  }
0x99: {  	_ =	swait.eq [sflag:s6], $0x1  }
0x9a: {  	[sflag:s6] =	ssyncset.done $0x0  }
0x9b: {  	[sflag:s6] =	ssyncadd.s32 $0xFFFFFFFF  }
0x9c: {  	s18 =	sld [smem:$0x11];
	(tm) =	ssettm $0x1  }
0x9d: {  	s19 =	sld [smem:$0x3FFB];
	_ =	sdelay $0x3  }
0x9e: {  	_ =	strace s19  }
0x9f: {  	s4 =	sld [smem:$0x3FFC];
	_ =	sdelay $0x3  }
0xa0: {  	_ =	strace s4  }
0xa1: {  	s4 =	sld [smem:$0x3FFD];
	_ =	sdelay $0x3  }
0xa2: {  	_ =	strace s4  }
0xa3: {  	_ =	strace $0x8FFFFFFF  }
0xa4: {  	s20 =	sld [smem:$0x3FDB];
	_ =	sdelay $0x1  }
0xa5: {  	s21 =	simm.s32 $_scs_section_size  }
0xa6: {  	s8 =	simm.s32 $_size__tile_overlayer_lowered;
	s9 =	simm.s32 $_tile_overlayer_lowered  }
0xa7: {  	s10 =	simm.s32 $0x1BFF;
	s22 =	sshll.u32 s9, $0x1;
	s7 =	sadd.s32 s21, s20  }
0xa8: {  	s23 =	simm.s32 $0x0;
	s8 =	sshll.u32 s8, $0x1;
	s9 =	sadd.s32 s22, s7  }
0xa9: {  	[timem:s23], [sflag:s10] =	dma.local [hbm:s9], s8  }
0xaa: {  	_ =	swait.ge [sflag:s10], s8  }
0xab: {  	s8 =	ssub.s32 $0x0, s8;
	[sflag:s10] =	ssyncset.done $0x0  }
0xac: {  	[sflag:s10] =	ssyncadd.s32 s8;
	_ =	sdelay $0x1  }
0xad: {  	s24 =	simm.s32 $0x1B8B  }
0xae: {  	_ =	swait.ge [sflag:s24], $0x1  }
0xaf: {  	[sflag:s24] =	ssyncset.done $0x0  }
0xb0: {  	[sflag:s24] =	ssyncadd.s32 $0xFFFFFFFF  }
0xb1: {  	s8 =	sld [smem:$0x0]  }
0xb2: {  	s9 =	sand.u32 $0xFFFFFFFE, s1  }
0xb3: {  	p0 =	sne.s32 s1, s9  }
0xb4: {  	s9 =	sshll.u32 @p0 s9, $0xE  }
0xb5: {  	s9 =	sadd.s32 @p0 $0x11B8D, s9;
	s10 =	sshll.u32 @p0 s8, $0x11  }
0xb6: {  	s9 =	sor.u32 @p0 s10, s9  }
0xb7: {  	[sflag:s9] =	ssyncadd.remote.s32 @p0 $0x1;
	_ =	sdelay $0x1  }
0xb8: {  	s9 =	simm.s32 @p0 $0x1B8D  }
0xb9: {  	_ =	swait.eq @p0 [sflag:s9], $0x1  }
0xba: {  	[sflag:s9] =	ssyncadd.s32 @p0 $0xFFFFFFFF  }
0xbb: {  	s10 =	sshll.u32 @!p0 s1, $0xE  }
0xbc: {  	s10 =	sor.u32 @!p0 $0x4000, s10;
	s9 =	simm.s32 @!p0 $0x1B8D  }
0xbd: {  	s8 =	sshll.u32 @!p0 s8, $0x11;
	s10 =	sadd.s32 @!p0 $0x11B8D, s10;
	_ =	swait.eq @!p0 [sflag:s9], $0x1  }
0xbe: {  	s8 =	sor.u32 @!p0 s8, s10;
	[sflag:s9] =	ssyncadd.s32 @!p0 $0xFFFFFFFF  }
0xbf: {  	s25 =	simm.s32 $0x1B8E;
	[sflag:s8] =	ssyncadd.remote.s32 @!p0 $0x1  }
0xc0: {  	s26 =	simm.s32 $execute0_lowered;
	[smem:$0x3FD2] =	sst s25  }
0xc1: {  	s8 =	sshll.u32 s26, $0x1;
	_ =	strace $0x8000004F;
	[dreg:$0x1] =	wrdreg $0xFFFFFFFF  }
0xc2: {  	s28 =	simm.s32 $_size_execute0_lowered;
	s7 =	sadd.s32 s7, s8;
	[dreg:$0x0] =	wrdreg $0x0  }
0xc3: {  	s8 =	sshll.u32 s28, $0x1;
	[dreg:$0x2] =	wrdreg s7  }
0xc4: {  	[dreg:$0x3] =	wrdreg s8  }
0xc5: {  	[dreg:$0x4] =	wrdreg $0xC0  }
0xc6: {  	_ =	task [dreg:s23], $0x5FFFF  }
0xc7: {  	[dreg:$0x1] =	wrdreg $0xFFFFFFFF  }
0xc8: {  	[dreg:$0x0] =	wrdreg $0x60  }
0xc9: {  	[dreg:$0x2] =	wrdreg s5  }
0xca: {  	[dreg:$0x3] =	wrdreg s2  }
0xcb: {  	[dreg:$0x4] =	wrdreg s18  }
0xcc: {  	[dreg:$0x5] =	wrdreg s17  }
0xcd: {  	[dreg:$0x6] =	wrdreg $0x9  }
0xce: {  	_ =	task.clear_ibuf [dreg:s23], $0x7FFFF;
	_ =	strace $0x9000004F  }
0xcf: {  	s29 =	simm.s32 $0x9;
	_ =	strace $0x80000051  }
0xd0: {  	_ =	swait.ge [sflag:s29], $0x1  }
0xd1: {  	[sflag:s29] =	ssyncadd.s32 $0xFFFFFFFF  }
0xd2: {  	_ =	strace $0x90000051  }
0xd3: {  	_ =	sfence  }
0xd4: {  	s30 =	sld [smem:$0x0];
	_ =	sdelay $0x2  }
0xd5: {  	s31 =	sshll.u32 s1, $0xD;
	s1 =	sshrl.u32 s1, $0x2  }
0xd6: {  	s3 =	sand.u32 $0x4000, s31;
	s1 =	sadd.s32 s1, s30  }
0xd7: {  	s0 =	sor.u32 s3, s0;
	s1 =	sshll.u32 s1, $0x11  }
0xd8: {  	s0 =	sor.u32 s1, s0  }
0xd9: {  	s0 =	sadd.s32 $0x8F2B, s0  }
0xda: {  	[sflag:s0] =	ssyncadd.remote.s32 $0x1  }
0xdb: {  	_ =	sfence.sel $0xFFFF  }
0xdc: {  	[dreg:$0x0] =	wrdreg $0xFFFFFFFF;
	(pc) =	sbr.abs _section_cstart, $3  }
0xdd: {  	[dreg:$0x1] =	wrdreg $0xFFFFFFFF  }
0xde: {  	_ =	task.clear_ibuf [dreg:s23], $0x2FFFF;
	_ =	strace $0x9FFFFFFF  }
0xdf: {  	(tm) =	ssettm $0x7FFFFFFF  }
tec
execute0_lowered:
.L_overlay_start_1:
0x0: {  	(tag) =	ssettag $0x1  }
0x1: {  	s8 =	rddreg [dreg:$0x0]  }
0x2: {  	s1 =	rddreg [dreg:$0x1]  }
0x3: {  	s4 =	rddreg [dreg:$0x2];
	s2 =	srdreg.scid  }
0x4: {  	s0 =	stileid.u32;
	s6 =	rddreg [dreg:$0x3];
	s3 =	simm.s32 $0x0  }
0x5: {  	s14 =	simm.s32 $0x1;
	s15 =	simm.s32 $0x2;
	s7 =	smul.u32 $0x32000, s0  }
0x6: {  	s5 =	sand.u32 $0x1, s2;
	s2 =	rddreg [dreg:$0x4];
	s11 =	smul.u32 $0x3200, s0  }
0x7: {  	s16 =	simm.s32 $0x0;
	[smem:$0x7FF] =	sst s3;
	s9 =	smul.u32 $0x19000, s5  }
0x8: {  	s10 =	ssub.s32 $0x2, s5;
	s13 =	smul.u32 $0x1900, s5;
	_ =	strace $0x80000050  }
0x9: {  	s12 =	sshrl.u32 s10, $0x1;
	s28 =	sadd.s32 s7, s4;
	s6 =	sadd.s32 s7, s6  }
0xa: {  	s26 =	ssub.s32 s10, s12;
	s5 =	sadd.s32 s9, s28;
	s29 =	sadd.s32 s13, s11  }
0xb: {  	s6 =	sadd.s32 s9, s6;
	s9 =	simm.s32 $0x3;
	s11 =	simm.s32 $0x400  }
0xc: {  	s12 =	simm.s32 $0x200;
	s13 =	simm.s32 $0xCC00;
	s10 =	sadd.s32 $0x190, s29  }
0xd: {  	s4 =	smax.u32 s26, $0x1;
	s30 =	sshrl.u32 s29, $0x3;
	s31 =	sshrl.u32 s10, $0x3  }
0xe: {  	s7 =	sadd.s32 s30, s8;
	s10 =	simm.s32 $0x190;
	s8 =	sadd.s32 s31, s8  }
.LBB2_1:
0xf: {  	[tilespmem:s3], [sflag:$0x3] =	stream.linear.gather [hbm4b:s7+s3], $0x190, $0x38;
	[tilespmem:$0x19400] =	vst v63  }
0x10: {  	_ =	swait.ge [sflag:s9], $0x190  }
0x11: {  	[sflag:s9] =	ssyncset.done $0x0  }
0x12: {  	[sflag:s9] =	ssyncadd.s32 $0xFFFFFE70  }
0x13: {  	[tilespmem:s11], [sflag:$0x1] =	stream.indirect.gather [hbm4b:s1+s10], $0x80, s3, s10, $0xb8;
	[tilespmem:$0x19400] =	vst v63  }
0x14: {  	_ = 	snop  }
0x15: {  	[tilespmem:s12], [sflag:$0x3] =	stream.linear.gather [hbm4b:s8+s3], $0x190, $0x38;
	[tilespmem:$0x19400] =	vst v63  }
0x16: {  	_ =	swait.ge [sflag:s9], $0x190  }
0x17: {  	[sflag:s9] =	ssyncset.done $0x0  }
0x18: {  	[sflag:s9] =	ssyncadd.s32 $0xFFFFFE70  }
0x19: {  	[tilespmem:s13], [sflag:$0x1] =	stream.indirect.gather [hbm4b:s1+s10], $0x80, s12, s10, $0xb8;
	[tilespmem:$0x19400] =	vst v63  }
0x1a: {  	_ =	swait.ge [sflag:s14], $0xC800  }
0x1b: {  	[sflag:s14] =	ssyncset.done $0x0  }
0x1c: {  	s17 =	sadd.s32 $0x0, s5;
	[sflag:s14] =	ssyncadd.s32 $0xFFFF3800  }
0x1d: {  	[hbm4b:s17+s3] =	stream.linear.scatter [tilespmem:s11], [sflag:$0x2], $0xC800, $0x38;
	[tilespmem:$0x19400] =	vst v63  }
0x1e: {  	s18 =	sadd.s32 $0x0, s6  }
0x1f: {  	[hbm4b:s18+s3] =	stream.linear.scatter [tilespmem:s11], [sflag:$0x2], $0xC800, $0x38;
	[tilespmem:$0x19400] =	vst v63  }
0x20: {  	_ =	swait.ge [sflag:s14], $0xC800  }
0x21: {  	[sflag:s14] =	ssyncset.done $0x0  }
0x22: {  	s17 =	sadd.s32 $0x1900, s17;
	[sflag:s14] =	ssyncadd.s32 $0xFFFF3800  }
0x23: {  	[hbm4b:s17+s3] =	stream.linear.scatter [tilespmem:s13], [sflag:$0x2], $0xC800, $0x38;
	[tilespmem:$0x19400] =	vst v63  }
0x24: {  	s31 =	sadd.s32 $0x1900, s18  }
0x25: {  	[hbm4b:s31+s3] =	stream.linear.scatter [tilespmem:s13], [sflag:$0x2], $0xC800, $0x38;
	[tilespmem:$0x19400] =	vst v63  }
0x26: {  	_ =	swait.ge [sflag:s15], $0xC800  }
0x27: {  	[sflag:s15] =	ssyncset.done $0x0  }
0x28: {  	[sflag:s15] =	ssyncadd.s32 $0xFFFF3800  }
0x29: {  	_ =	swait.ge [sflag:s15], $0xC800  }
0x2a: {  	[sflag:s15] =	ssyncset.done $0x0  }
0x2b: {  	[sflag:s15] =	ssyncadd.s32 $0xFFFF3800  }
0x2c: {  	_ =	swait.ge [sflag:s15], $0xC800  }
0x2d: {  	[sflag:s15] =	ssyncset.done $0x0  }
0x2e: {  	[sflag:s15] =	ssyncadd.s32 $0xFFFF3800  }
0x2f: {  	s19 =	smov.u32 s8;
	_ =	swait.ge [sflag:s15], $0xC800  }
0x30: {  	s18 =	smov.u32 s7;
	s17 =	simm.s32 $0x3200;
	[sflag:s15] =	ssyncset.done $0x0  }
.LBB2_2:
0x31: {  	[sflag:s15] =	ssyncadd.s32 $0xFFFF3800  }
0x32: {  	s18 =	sadd.s32 $0x64, s18;
	s19 =	sadd.s32 $0x64, s19;
	s20 =	smov.u32 s17  }
0x33: {  	[tilespmem:s3], [sflag:$0x3] =	stream.linear.gather [hbm4b:s18+s3], $0x190, $0x38;
	[tilespmem:$0x19400] =	vst v63  }
0x34: {  	p0 =	sne.s32 s17, $0x15E00;
	s17 =	sadd.s32 $0x3200, s17;
	_ =	swait.ge [sflag:s9], $0x190  }
0x35: {  	[sflag:s9] =	ssyncset.done $0x0  }
0x36: {  	[sflag:s9] =	ssyncadd.s32 $0xFFFFFE70  }
0x37: {  	[tilespmem:s11], [sflag:$0x1] =	stream.indirect.gather [hbm4b:s1+s10], $0x80, s3, s10, $0xb8;
	[tilespmem:$0x19400] =	vst v63  }
0x38: {  	_ = 	snop  }
0x39: {  	[tilespmem:s12], [sflag:$0x3] =	stream.linear.gather [hbm4b:s19+s3], $0x190, $0x38;
	[tilespmem:$0x19400] =	vst v63  }
0x3a: {  	_ =	swait.ge [sflag:s9], $0x190  }
0x3b: {  	[sflag:s9] =	ssyncset.done $0x0  }
0x3c: {  	[sflag:s9] =	ssyncadd.s32 $0xFFFFFE70  }
0x3d: {  	[tilespmem:s13], [sflag:$0x1] =	stream.indirect.gather [hbm4b:s1+s10], $0x80, s12, s10, $0xb8;
	[tilespmem:$0x19400] =	vst v63  }
0x3e: {  	_ =	swait.ge [sflag:s14], $0xC800  }
0x3f: {  	[sflag:s14] =	ssyncset.done $0x0  }
0x40: {  	s21 =	sadd.s32 s20, s5;
	[sflag:s14] =	ssyncadd.s32 $0xFFFF3800  }
0x41: {  	[hbm4b:s21+s3] =	stream.linear.scatter [tilespmem:s11], [sflag:$0x2], $0xC800, $0x38;
	[tilespmem:$0x19400] =	vst v63  }
0x42: {  	s20 =	sadd.s32 s20, s6  }
0x43: {  	[hbm4b:s20+s3] =	stream.linear.scatter [tilespmem:s11], [sflag:$0x2], $0xC800, $0x38;
	[tilespmem:$0x19400] =	vst v63  }
0x44: {  	_ =	swait.ge [sflag:s14], $0xC800  }
0x45: {  	[sflag:s14] =	ssyncset.done $0x0  }
0x46: {  	s21 =	sadd.s32 $0x1900, s21;
	[sflag:s14] =	ssyncadd.s32 $0xFFFF3800  }
0x47: {  	[hbm4b:s21+s3] =	stream.linear.scatter [tilespmem:s13], [sflag:$0x2], $0xC800, $0x38;
	[tilespmem:$0x19400] =	vst v63  }
0x48: {  	s20 =	sadd.s32 $0x1900, s20  }
0x49: {  	[hbm4b:s20+s3] =	stream.linear.scatter [tilespmem:s13], [sflag:$0x2], $0xC800, $0x38;
	[tilespmem:$0x19400] =	vst v63  }
0x4a: {  	_ =	swait.ge [sflag:s15], $0xC800  }
0x4b: {  	[sflag:s15] =	ssyncset.done $0x0  }
0x4c: {  	[sflag:s15] =	ssyncadd.s32 $0xFFFF3800  }
0x4d: {  	_ =	swait.ge [sflag:s15], $0xC800  }
0x4e: {  	[sflag:s15] =	ssyncset.done $0x0  }
0x4f: {  	[sflag:s15] =	ssyncadd.s32 $0xFFFF3800  }
.Ltmp0:
0x50: {  	_ =	swait.ge [sflag:s15], $0xC800;
	(pc) =	sbr.rel @p0 .LBB2_2-.Ltmp0, $4  }
0x51: {  	[sflag:s15] =	ssyncset.done $0x0  }
0x52: {  	[sflag:s15] =	ssyncadd.s32 $0xFFFF3800  }
0x53: {  	_ =	swait.ge [sflag:s15], $0xC800  }
0x54: {  	[sflag:s15] =	ssyncset.done $0x0  }
0x55: {  	s16 =	sadd.s32 $0x1, s16  }
0x56: {  	p0 =	sne.s32 s16, s4  }
.Ltmp1:
0x57: {  	_ = 	snop;
	(pc) =	sbr.rel @p0 .LBB2_1-.Ltmp1, $2  }
0x58: {  	_ =	sdelay $0x2  }
0x59: {  	[sflag:s15] =	ssyncadd.s32 $0xFFFF3800  }
0x5a: {  	_ =	sfence.sel $0x180000  }
0x5b: {  	[bflag:$0x0] =	sbarrier.arrive $0xFFFF  }
0x5c: {  	p0 =	sne.s32 s0, $0x0;
	_ =	strace $0x90000050  }
0x5d: {  	s0 =	sadd.s32 @!p0 $0x100000, s2;
	[bflag:$0x2] =	sbarrier.arrive $0xFFFF  }
0x5e: {  	[sflag:s0] =	ssyncadd.tile.s32 @!p0 $0x1;
	_ =	shalt  }
.Lfunc_end2:
_tile_overlayer_lowered:
.L_overlay_start_2:
0x5f: {  	(tag) =	ssettag $0x2  }
0x60: {  	s0 =	rddreg [dreg:$0x0];
	s2 =	stileid.u32  }
0x61: {  	s1 =	rddreg [dreg:$0x1];
	p0 =	sne.s32 s2, $0x0  }
0x62: {  	s3 =	rddreg [dreg:$0x2];
	[bflag:$0x3] =	sbarrier.arrive $0xFFFF;
	s2 =	simm.s32 @!p0 $0x1C03  }
0x63: {  	[timem:s3], [sflag:s2] =	dma.local @!p0 [hbm:s0], s1  }
0x64: {  	s0 =	simm.s32 @!p0 $0x3  }
0x65: {  	_ =	swait.ge @!p0 [sflag:s0], s1  }
0x66: {  	s1 =	ssub.s32 @!p0 $0x0, s1;
	[sflag:s0] =	ssyncset.done @!p0 $0x0  }
0x67: {  	[sflag:s0] =	ssyncadd.s32 @!p0 s1  }
0x68: {  	[bflag:$0x3] =	sbarrier.arrive $0xFFFF  }
0x69: {  	_ =	shalt  }

// kernel: kernel.13.cloned.1.call-start
scs
__scs_entry_jumppad:
0x0: {  	(pc) =	sbr.rel $0x88, $3  }
0x1: {  	(tag) =	ssettag $0x0;
	lr =	simm.s32 $0x1  }
0x2: {  	[smem:$0x3F9A] =	sst lr;
	_ =	strace $0xD0000000  }
0x3: {  	_ = 	snop  }
0x4: {  	_ = 	snop  }
0x5: {  	_ = 	snop  }
0x6: {  	_ = 	snop  }
0x7: {  	_ = 	snop  }
__scs_overlays_trampoline_lowered:
0x8: {  	[smem:$0x3FA9] =	sst s0  }
0x9: {  	[smem:$0x3FAA] =	sst s1  }
0xa: {  	[smem:$0x3FAB] =	sst s2  }
0xb: {  	[smem:$0x3FAC] =	sst s3  }
0xc: {  	[smem:$0x3FAD] =	sst s4  }
0xd: {  	[smem:$0x3FAE] =	sst s5  }
0xe: {  	[smem:$0x3FAF] =	sst s6  }
0xf: {  	[smem:$0x3FB0] =	sst s7  }
0x10: {  	[smem:$0x3FB1] =	sst s8  }
0x11: {  	[smem:$0x3FB2] =	sst s9;
	s0 =	simm.s32 @!p0 $0x0  }
0x12: {  	s1 =	sld [smem:$0x3F98];
	s0 =	simm.s32 @p0 $0x1  }
0x13: {  	[smem:$0x3FB3] =	sst s0;
	s0 =	simm.s32 @!p1 $0x0  }
0x14: {  	s2 =	sld [smem:$0x3F97];
	s0 =	simm.s32 @p1 $0x1  }
0x15: {  	[smem:$0x3FB4] =	sst s0;
	s0 =	simm.s32 @!p2 $0x0  }
0x16: {  	s3 =	sld [smem:$0x3FDB];
	s0 =	simm.s32 @p2 $0x1  }
0x17: {  	s4 =	simm.s32 $0x1BF5;
	[smem:$0x3FB6] =	sst s0  }
0x18: {  	s0 =	sld [smem:$0x3F99];
	_ =	swait.ge [sflag:s4], $0x0  }
0x19: {  	s7 =	sld [smem:$0x3F9A]  }
0x1a: {  	s8 =	sadd.s32 $0xFFFFE003, lr  }
0x1b: {  	s9 =	sadd.s32 $0xFFFFFEF7, lr;
	s5 =	simm.s32 $0xFFFFFFFF;
	p2 =	slt.u32 s8, $0xFFFFF086  }
0x1c: {  	p1 =	slt.u32 s9, $0xF7A;
	s5 =	simm.s32 @!p2 $0x0  }
0x1d: {  	s5 =	simm.s32 @p1 $0x1;
	p0 =	seq.s32 s7, s2  }
0x1e: {  	s7 =	smul.u32 @!p0 $0xF7A, s2;
	p2 =	seq.s32 @!p0 s5, $0x0  }
0x1f: {  	s9 =	smul.u32 $0xF7A, s1;
	s8 =	simm.s32 @!p0 $0x1BF5;
	p2 =	por !p2, p0  }
0x20: {  	[sflag:s8] =	ssyncset.s32 @!p0 $0xFFFFF086;
	s6 =	sadd.s32 @!p0 s3, s7;
	s7 =	simm.s32 @!p0 $0x108  }
0x21: {  	s3 =	sadd.s32 s3, s9;
	s6 =	sadd.s32 @!p0 $0x88, s6;
	s7 =	simm.s32 @p2 $0x1082  }
0x22: {  	[simem:s7], [sflag:s8] =	dma.local @!p0 [hbm:s6], $0xF7A  }
0x23: {  	s9 =	sor.u32 $0xD0000000, s2;
	s6 =	simm.s32 $0x108;
	_ =	swait.ge @!p0 [sflag:s8], $0x0  }
0x24: {  	s3 =	sadd.s32 $0x88, s3;
	s6 =	simm.s32 @!p1 $0x1082;
	[sflag:s4] =	ssyncset.s32 $0xFFFFF086  }
0x25: {  	[simem:s6], [sflag:s4] =	dma.local [hbm:s3], $0xF7A  }
0x26: {  	[smem:$0x3F9A] =	sst s1;
	(tag) =	ssettag s2;
	_ =	strace s9  }
0x27: {  	s1 =	sld [smem:$0x3FAA]  }
0x28: {  	s2 =	sld [smem:$0x3FAB]  }
0x29: {  	s4 =	sld [smem:$0x3FAD]  }
0x2a: {  	p0 =	seq.s32 s5, $0x0;
	s5 =	sld [smem:$0x3FAE]  }
0x2b: {  	s6 =	sld [smem:$0x3FAF]  }
0x2c: {  	s7 =	sld [smem:$0x3FB0]  }
0x2d: {  	s3 =	simm.s32 $0x108;
	s8 =	sld [smem:$0x3FB1]  }
0x2e: {  	s3 =	simm.s32 @!p0 $0x1082;
	s9 =	sld [smem:$0x3FB2]  }
0x2f: {  	lr =	sadd.s32 s0, s3;
	s0 =	sld [smem:$0x3FA9]  }
0x30: {  	s3 =	sld [smem:$0x3FAC]  }
0x31: {  	[smem:$0x3FB5] =	sst s10  }
0x32: {  	s10 =	sld [smem:$0x3FB3];
	_ =	sdelay $0x3  }
0x33: {  	p0 =	seq.s32 s10, $0x1;
	s10 =	sld [smem:$0x3FB5];
	_ =	sdelay $0x3  }
0x34: {  	[smem:$0x3FB5] =	sst s10  }
0x35: {  	s10 =	sld [smem:$0x3FB4];
	_ =	sdelay $0x3  }
0x36: {  	p1 =	seq.s32 s10, $0x1;
	s10 =	sld [smem:$0x3FB5];
	_ =	sdelay $0x3  }
0x37: {  	[smem:$0x3FB5] =	sst s10  }
0x38: {  	s10 =	sld [smem:$0x3FB6]  }
0x39: {  	_ = 	snop;
	(pc) =	sbr.ind lr, $3  }
0x3a: {  	_ = 	snop  }
0x3b: {  	_ = 	snop  }
0x3c: {  	p2 =	seq.s32 s10, $0x1;
	s10 =	sld [smem:$0x3FB5]  }
0x3d: {  	_ =	shalt  }
0x3e: {  	_ =	shalt  }
0x3f: {  	_ =	shalt  }
0x40: {  	_ =	shalt  }
0x41: {  	_ =	shalt  }
0x42: {  	_ =	shalt  }
0x43: {  	_ =	shalt  }
0x44: {  	_ =	shalt  }
0x45: {  	_ =	shalt  }
0x46: {  	_ =	shalt  }
0x47: {  	_ =	shalt  }
0x48: {  	_ =	shalt  }
0x49: {  	_ =	shalt  }
0x4a: {  	_ =	shalt  }
0x4b: {  	_ =	shalt  }
0x4c: {  	_ =	shalt  }
0x4d: {  	_ =	shalt  }
0x4e: {  	_ =	shalt  }
0x4f: {  	_ =	shalt  }
0x50: {  	_ =	shalt  }
0x51: {  	_ =	shalt  }
0x52: {  	_ =	shalt  }
0x53: {  	_ =	shalt  }
0x54: {  	_ =	shalt  }
0x55: {  	_ =	shalt  }
0x56: {  	_ =	shalt  }
0x57: {  	_ =	shalt  }
0x58: {  	_ =	shalt  }
0x59: {  	_ =	shalt  }
0x5a: {  	_ =	shalt  }
0x5b: {  	_ =	shalt  }
0x5c: {  	_ =	shalt  }
0x5d: {  	_ =	shalt  }
0x5e: {  	_ =	shalt  }
0x5f: {  	_ =	shalt  }
0x60: {  	_ =	shalt  }
0x61: {  	_ =	shalt  }
0x62: {  	_ =	shalt  }
0x63: {  	_ =	shalt  }
0x64: {  	_ =	shalt  }
0x65: {  	_ =	shalt  }
0x66: {  	_ =	shalt  }
0x67: {  	_ =	shalt  }
0x68: {  	_ =	shalt  }
0x69: {  	_ =	shalt  }
0x6a: {  	_ =	shalt  }
0x6b: {  	_ =	shalt  }
0x6c: {  	_ =	shalt  }
0x6d: {  	_ =	shalt  }
0x6e: {  	_ =	shalt  }
0x6f: {  	_ =	shalt  }
0x70: {  	_ =	shalt  }
0x71: {  	_ =	shalt  }
0x72: {  	_ =	shalt  }
0x73: {  	_ =	shalt  }
0x74: {  	_ =	shalt  }
0x75: {  	_ =	shalt  }
0x76: {  	_ =	shalt  }
0x77: {  	_ =	shalt  }
0x78: {  	_ =	shalt  }
0x79: {  	_ =	shalt  }
0x7a: {  	_ =	shalt  }
0x7b: {  	_ =	shalt  }
0x7c: {  	_ =	shalt  }
0x7d: {  	_ =	shalt  }
0x7e: {  	_ =	shalt  }
0x7f: {  	_ =	shalt  }
0x80: {  	_ =	shalt  }
0x81: {  	_ =	shalt  }
0x82: {  	_ =	shalt  }
0x83: {  	_ =	shalt  }
0x84: {  	_ =	shalt  }
0x85: {  	_ =	shalt  }
0x86: {  	_ =	shalt  }
0x87: {  	_ =	shalt  }
.Lfunc_end0:
.L_simem_size_0:
called_computation.1_lowered:
.L_overlay_start_0:
0x88: {  	s2 =	sld [smem:$0x3FD9]  }
0x89: {  	s3 =	sld [smem:$0x3FFE];
	_ =	sdelay $0x1  }
0x8a: {  	s1 =	srdreg.scid  }
0x8b: {  	s0 =	sand.u32 $0x1, s1  }
0x8c: {  	s15 =	sshll.u32 s0, $0xA;
	s2 =	sadd.s32 s3, s2  }
0x8d: {  	s2 =	sadd.s32 s2, s15  }
0x8e: {  	[smem:$0x3FC1] =	sst s2  }
0x8f: {  	_ = 	snop  }
0x90: {  	s4 =	sld [smem:$0x3FD0];
	_ =	sdelay $0x2  }
0x91: {  	s6 =	simm.s32 $0xD  }
0x92: {  	s7 =	simm.s32 $0x10;
	s2 =	sld [smem:$0x3FC5];
	s16 =	sadd.s32 $0x1, s4  }
0x93: {  	[smem:s7], [sflag:s6] =	dma.local [hbm:s16], $0x1  }
0x94: {  	_ =	swait.eq [sflag:s6], $0x1  }
0x95: {  	[sflag:s6] =	ssyncset.done $0x0  }
0x96: {  	s17 =	sld [smem:$0x12];
	[sflag:s6] =	ssyncadd.s32 $0xFFFFFFFF  }
0x97: {  	s5 =	sld [smem:$0x16]  }
0x98: {  	[smem:s7], [sflag:s6] =	dma.local [hbm:s4], $0x1  }
0x99: {  	_ =	swait.eq [sflag:s6], $0x1  }
0x9a: {  	[sflag:s6] =	ssyncset.done $0x0  }
0x9b: {  	[sflag:s6] =	ssyncadd.s32 $0xFFFFFFFF  }
0x9c: {  	s18 =	sld [smem:$0x12];
	(tm) =	ssettm $0x1  }
0x9d: {  	s19 =	sld [smem:$0x3FFB];
	_ =	sdelay $0x3  }
0x9e: {  	_ =	strace s19  }
0x9f: {  	s4 =	sld [smem:$0x3FFC];
	_ =	sdelay $0x3  }
0xa0: {  	_ =	strace s4  }
0xa1: {  	s4 =	sld [smem:$0x3FFD];
	_ =	sdelay $0x3  }
0xa2: {  	_ =	strace s4  }
0xa3: {  	_ =	strace $0x8FFFFFFF  }
0xa4: {  	s20 =	sld [smem:$0x3FDB];
	_ =	sdelay $0x1  }
0xa5: {  	s21 =	simm.s32 $_scs_section_size  }
0xa6: {  	s8 =	simm.s32 $_size__tile_overlayer_lowered;
	s9 =	simm.s32 $_tile_overlayer_lowered  }
0xa7: {  	s10 =	simm.s32 $0x1BFF;
	s22 =	sshll.u32 s9, $0x1;
	s7 =	sadd.s32 s21, s20  }
0xa8: {  	s23 =	simm.s32 $0x0;
	s8 =	sshll.u32 s8, $0x1;
	s9 =	sadd.s32 s22, s7  }
0xa9: {  	[timem:s23], [sflag:s10] =	dma.local [hbm:s9], s8  }
0xaa: {  	_ =	swait.ge [sflag:s10], s8  }
0xab: {  	s8 =	ssub.s32 $0x0, s8;
	[sflag:s10] =	ssyncset.done $0x0  }
0xac: {  	[sflag:s10] =	ssyncadd.s32 s8;
	_ =	sdelay $0x1  }
0xad: {  	s24 =	simm.s32 $0x1B8B  }
0xae: {  	_ =	swait.ge [sflag:s24], $0x1  }
0xaf: {  	[sflag:s24] =	ssyncset.done $0x0  }
0xb0: {  	[sflag:s24] =	ssyncadd.s32 $0xFFFFFFFF  }
0xb1: {  	s8 =	sld [smem:$0x0]  }
0xb2: {  	s9 =	sand.u32 $0xFFFFFFFE, s1  }
0xb3: {  	p0 =	sne.s32 s1, s9  }
0xb4: {  	s9 =	sshll.u32 @p0 s9, $0xE  }
0xb5: {  	s9 =	sadd.s32 @p0 $0x11B8D, s9;
	s10 =	sshll.u32 @p0 s8, $0x11  }
0xb6: {  	s9 =	sor.u32 @p0 s10, s9  }
0xb7: {  	[sflag:s9] =	ssyncadd.remote.s32 @p0 $0x1;
	_ =	sdelay $0x1  }
0xb8: {  	s9 =	simm.s32 @p0 $0x1B8D  }
0xb9: {  	_ =	swait.eq @p0 [sflag:s9], $0x1  }
0xba: {  	[sflag:s9] =	ssyncadd.s32 @p0 $0xFFFFFFFF  }
0xbb: {  	s10 =	sshll.u32 @!p0 s1, $0xE  }
0xbc: {  	s10 =	sor.u32 @!p0 $0x4000, s10;
	s9 =	simm.s32 @!p0 $0x1B8D  }
0xbd: {  	s8 =	sshll.u32 @!p0 s8, $0x11;
	s10 =	sadd.s32 @!p0 $0x11B8D, s10;
	_ =	swait.eq @!p0 [sflag:s9], $0x1  }
0xbe: {  	s8 =	sor.u32 @!p0 s8, s10;
	[sflag:s9] =	ssyncadd.s32 @!p0 $0xFFFFFFFF  }
0xbf: {  	s25 =	simm.s32 $0x1B8E;
	[sflag:s8] =	ssyncadd.remote.s32 @!p0 $0x1  }
0xc0: {  	s26 =	simm.s32 $execute0_lowered;
	[smem:$0x3FD2] =	sst s25  }
0xc1: {  	s8 =	sshll.u32 s26, $0x1;
	_ =	strace $0x8000004C;
	[dreg:$0x1] =	wrdreg $0xFFFFFFFF  }
0xc2: {  	s28 =	simm.s32 $_size_execute0_lowered;
	s7 =	sadd.s32 s7, s8;
	[dreg:$0x0] =	wrdreg $0x0  }
0xc3: {  	s8 =	sshll.u32 s28, $0x1;
	[dreg:$0x2] =	wrdreg s7  }
0xc4: {  	[dreg:$0x3] =	wrdreg s8  }
0xc5: {  	[dreg:$0x4] =	wrdreg $0xC0  }
0xc6: {  	_ =	task [dreg:s23], $0x5FFFF  }
0xc7: {  	[dreg:$0x1] =	wrdreg $0xFFFFFFFF  }
0xc8: {  	[dreg:$0x0] =	wrdreg $0x60  }
0xc9: {  	[dreg:$0x2] =	wrdreg s5  }
0xca: {  	[dreg:$0x3] =	wrdreg s2  }
0xcb: {  	[dreg:$0x4] =	wrdreg s18  }
0xcc: {  	[dreg:$0x5] =	wrdreg s17  }
0xcd: {  	[dreg:$0x6] =	wrdreg $0xA  }
0xce: {  	_ =	task.clear_ibuf [dreg:s23], $0x7FFFF;
	_ =	strace $0x9000004C  }
0xcf: {  	s29 =	simm.s32 $0xA;
	_ =	strace $0x8000004E  }
0xd0: {  	_ =	swait.ge [sflag:s29], $0x1  }
0xd1: {  	[sflag:s29] =	ssyncadd.s32 $0xFFFFFFFF  }
0xd2: {  	_ =	strace $0x9000004E  }
0xd3: {  	_ =	sfence  }
0xd4: {  	s30 =	sld [smem:$0x0];
	_ =	sdelay $0x2  }
0xd5: {  	s31 =	sshll.u32 s1, $0xD;
	s1 =	sshrl.u32 s1, $0x2  }
0xd6: {  	s3 =	sand.u32 $0x4000, s31;
	s1 =	sadd.s32 s1, s30  }
0xd7: {  	s0 =	sor.u32 s3, s0;
	s1 =	sshll.u32 s1, $0x11  }
0xd8: {  	s0 =	sor.u32 s1, s0  }
0xd9: {  	s0 =	sadd.s32 $0x8F2B, s0  }
0xda: {  	[sflag:s0] =	ssyncadd.remote.s32 $0x1  }
0xdb: {  	_ =	sfence.sel $0xFFFF  }
0xdc: {  	[dreg:$0x0] =	wrdreg $0xFFFFFFFF;
	(pc) =	sbr.abs _section_cstart, $3  }
0xdd: {  	[dreg:$0x1] =	wrdreg $0xFFFFFFFF  }
0xde: {  	_ =	task.clear_ibuf [dreg:s23], $0x2FFFF;
	_ =	strace $0x9FFFFFFF  }
0xdf: {  	(tm) =	ssettm $0x7FFFFFFF  }
tec
execute0_lowered:
.L_overlay_start_1:
0x0: {  	(tag) =	ssettag $0x1  }
0x1: {  	s8 =	rddreg [dreg:$0x0]  }
0x2: {  	s1 =	rddreg [dreg:$0x1]  }
0x3: {  	s4 =	rddreg [dreg:$0x2];
	s2 =	srdreg.scid  }
0x4: {  	s0 =	stileid.u32;
	s6 =	rddreg [dreg:$0x3];
	s3 =	simm.s32 $0x0  }
0x5: {  	s14 =	simm.s32 $0x1;
	s15 =	simm.s32 $0x2;
	s7 =	smul.u32 $0x32000, s0  }
0x6: {  	s5 =	sand.u32 $0x1, s2;
	s2 =	rddreg [dreg:$0x4];
	s11 =	smul.u32 $0x3200, s0  }
0x7: {  	s16 =	simm.s32 $0x0;
	[smem:$0x7FF] =	sst s3;
	s9 =	smul.u32 $0x19000, s5  }
0x8: {  	s10 =	ssub.s32 $0x2, s5;
	s13 =	smul.u32 $0x1900, s5;
	_ =	strace $0x8000004D  }
0x9: {  	s12 =	sshrl.u32 s10, $0x1;
	s28 =	sadd.s32 s7, s4;
	s6 =	sadd.s32 s7, s6  }
0xa: {  	s26 =	ssub.s32 s10, s12;
	s5 =	sadd.s32 s9, s28;
	s29 =	sadd.s32 s13, s11  }
0xb: {  	s6 =	sadd.s32 s9, s6;
	s9 =	simm.s32 $0x3;
	s11 =	simm.s32 $0x400  }
0xc: {  	s12 =	simm.s32 $0x200;
	s13 =	simm.s32 $0xCC00;
	s10 =	sadd.s32 $0x190, s29  }
0xd: {  	s4 =	smax.u32 s26, $0x1;
	s30 =	sshrl.u32 s29, $0x3;
	s31 =	sshrl.u32 s10, $0x3  }
0xe: {  	s7 =	sadd.s32 s30, s8;
	s10 =	simm.s32 $0x190;
	s8 =	sadd.s32 s31, s8  }
.LBB2_1:
0xf: {  	[tilespmem:s3], [sflag:$0x3] =	stream.linear.gather [hbm4b:s7+s3], $0x190, $0x38;
	[tilespmem:$0x19400] =	vst v63  }
0x10: {  	_ =	swait.ge [sflag:s9], $0x190  }
0x11: {  	[sflag:s9] =	ssyncset.done $0x0  }
0x12: {  	[sflag:s9] =	ssyncadd.s32 $0xFFFFFE70  }
0x13: {  	[tilespmem:s11], [sflag:$0x1] =	stream.indirect.gather [hbm4b:s1+s10], $0x80, s3, s10, $0xb8;
	[tilespmem:$0x19400] =	vst v63  }
0x14: {  	_ = 	snop  }
0x15: {  	[tilespmem:s12], [sflag:$0x3] =	stream.linear.gather [hbm4b:s8+s3], $0x190, $0x38;
	[tilespmem:$0x19400] =	vst v63  }
0x16: {  	_ =	swait.ge [sflag:s9], $0x190  }
0x17: {  	[sflag:s9] =	ssyncset.done $0x0  }
0x18: {  	[sflag:s9] =	ssyncadd.s32 $0xFFFFFE70  }
0x19: {  	[tilespmem:s13], [sflag:$0x1] =	stream.indirect.gather [hbm4b:s1+s10], $0x80, s12, s10, $0xb8;
	[tilespmem:$0x19400] =	vst v63  }
0x1a: {  	_ =	swait.ge [sflag:s14], $0xC800  }
0x1b: {  	[sflag:s14] =	ssyncset.done $0x0  }
0x1c: {  	s17 =	sadd.s32 $0x0, s5;
	[sflag:s14] =	ssyncadd.s32 $0xFFFF3800  }
0x1d: {  	[hbm4b:s17+s3] =	stream.linear.scatter [tilespmem:s11], [sflag:$0x2], $0xC800, $0x38;
	[tilespmem:$0x19400] =	vst v63  }
0x1e: {  	s18 =	sadd.s32 $0x0, s6  }
0x1f: {  	[hbm4b:s18+s3] =	stream.linear.scatter [tilespmem:s11], [sflag:$0x2], $0xC800, $0x38;
	[tilespmem:$0x19400] =	vst v63  }
0x20: {  	_ =	swait.ge [sflag:s14], $0xC800  }
0x21: {  	[sflag:s14] =	ssyncset.done $0x0  }
0x22: {  	s17 =	sadd.s32 $0x1900, s17;
	[sflag:s14] =	ssyncadd.s32 $0xFFFF3800  }
0x23: {  	[hbm4b:s17+s3] =	stream.linear.scatter [tilespmem:s13], [sflag:$0x2], $0xC800, $0x38;
	[tilespmem:$0x19400] =	vst v63  }
0x24: {  	s31 =	sadd.s32 $0x1900, s18  }
0x25: {  	[hbm4b:s31+s3] =	stream.linear.scatter [tilespmem:s13], [sflag:$0x2], $0xC800, $0x38;
	[tilespmem:$0x19400] =	vst v63  }
0x26: {  	_ =	swait.ge [sflag:s15], $0xC800  }
0x27: {  	[sflag:s15] =	ssyncset.done $0x0  }
0x28: {  	[sflag:s15] =	ssyncadd.s32 $0xFFFF3800  }
0x29: {  	_ =	swait.ge [sflag:s15], $0xC800  }
0x2a: {  	[sflag:s15] =	ssyncset.done $0x0  }
0x2b: {  	[sflag:s15] =	ssyncadd.s32 $0xFFFF3800  }
0x2c: {  	_ =	swait.ge [sflag:s15], $0xC800  }
0x2d: {  	[sflag:s15] =	ssyncset.done $0x0  }
0x2e: {  	[sflag:s15] =	ssyncadd.s32 $0xFFFF3800  }
0x2f: {  	s19 =	smov.u32 s8;
	_ =	swait.ge [sflag:s15], $0xC800  }
0x30: {  	s18 =	smov.u32 s7;
	s17 =	simm.s32 $0x3200;
	[sflag:s15] =	ssyncset.done $0x0  }
.LBB2_2:
0x31: {  	[sflag:s15] =	ssyncadd.s32 $0xFFFF3800  }
0x32: {  	s18 =	sadd.s32 $0x64, s18;
	s19 =	sadd.s32 $0x64, s19;
	s20 =	smov.u32 s17  }
0x33: {  	[tilespmem:s3], [sflag:$0x3] =	stream.linear.gather [hbm4b:s18+s3], $0x190, $0x38;
	[tilespmem:$0x19400] =	vst v63  }
0x34: {  	p0 =	sne.s32 s17, $0x15E00;
	s17 =	sadd.s32 $0x3200, s17;
	_ =	swait.ge [sflag:s9], $0x190  }
0x35: {  	[sflag:s9] =	ssyncset.done $0x0  }
0x36: {  	[sflag:s9] =	ssyncadd.s32 $0xFFFFFE70  }
0x37: {  	[tilespmem:s11], [sflag:$0x1] =	stream.indirect.gather [hbm4b:s1+s10], $0x80, s3, s10, $0xb8;
	[tilespmem:$0x19400] =	vst v63  }
0x38: {  	_ = 	snop  }
0x39: {  	[tilespmem:s12], [sflag:$0x3] =	stream.linear.gather [hbm4b:s19+s3], $0x190, $0x38;
	[tilespmem:$0x19400] =	vst v63  }
0x3a: {  	_ =	swait.ge [sflag:s9], $0x190  }
0x3b: {  	[sflag:s9] =	ssyncset.done $0x0  }
0x3c: {  	[sflag:s9] =	ssyncadd.s32 $0xFFFFFE70  }
0x3d: {  	[tilespmem:s13], [sflag:$0x1] =	stream.indirect.gather [hbm4b:s1+s10], $0x80, s12, s10, $0xb8;
	[tilespmem:$0x19400] =	vst v63  }
0x3e: {  	_ =	swait.ge [sflag:s14], $0xC800  }
0x3f: {  	[sflag:s14] =	ssyncset.done $0x0  }
0x40: {  	s21 =	sadd.s32 s20, s5;
	[sflag:s14] =	ssyncadd.s32 $0xFFFF3800  }
0x41: {  	[hbm4b:s21+s3] =	stream.linear.scatter [tilespmem:s11], [sflag:$0x2], $0xC800, $0x38;
	[tilespmem:$0x19400] =	vst v63  }
0x42: {  	s20 =	sadd.s32 s20, s6  }
0x43: {  	[hbm4b:s20+s3] =	stream.linear.scatter [tilespmem:s11], [sflag:$0x2], $0xC800, $0x38;
	[tilespmem:$0x19400] =	vst v63  }
0x44: {  	_ =	swait.ge [sflag:s14], $0xC800  }
0x45: {  	[sflag:s14] =	ssyncset.done $0x0  }
0x46: {  	s21 =	sadd.s32 $0x1900, s21;
	[sflag:s14] =	ssyncadd.s32 $0xFFFF3800  }
0x47: {  	[hbm4b:s21+s3] =	stream.linear.scatter [tilespmem:s13], [sflag:$0x2], $0xC800, $0x38;
	[tilespmem:$0x19400] =	vst v63  }
0x48: {  	s20 =	sadd.s32 $0x1900, s20  }
0x49: {  	[hbm4b:s20+s3] =	stream.linear.scatter [tilespmem:s13], [sflag:$0x2], $0xC800, $0x38;
	[tilespmem:$0x19400] =	vst v63  }
0x4a: {  	_ =	swait.ge [sflag:s15], $0xC800  }
0x4b: {  	[sflag:s15] =	ssyncset.done $0x0  }
0x4c: {  	[sflag:s15] =	ssyncadd.s32 $0xFFFF3800  }
0x4d: {  	_ =	swait.ge [sflag:s15], $0xC800  }
0x4e: {  	[sflag:s15] =	ssyncset.done $0x0  }
0x4f: {  	[sflag:s15] =	ssyncadd.s32 $0xFFFF3800  }
.Ltmp0:
0x50: {  	_ =	swait.ge [sflag:s15], $0xC800;
	(pc) =	sbr.rel @p0 .LBB2_2-.Ltmp0, $4  }
0x51: {  	[sflag:s15] =	ssyncset.done $0x0  }
0x52: {  	[sflag:s15] =	ssyncadd.s32 $0xFFFF3800  }
0x53: {  	_ =	swait.ge [sflag:s15], $0xC800  }
0x54: {  	[sflag:s15] =	ssyncset.done $0x0  }
0x55: {  	s16 =	sadd.s32 $0x1, s16  }
0x56: {  	p0 =	sne.s32 s16, s4  }
.Ltmp1:
0x57: {  	_ = 	snop;
	(pc) =	sbr.rel @p0 .LBB2_1-.Ltmp1, $2  }
0x58: {  	_ =	sdelay $0x2  }
0x59: {  	[sflag:s15] =	ssyncadd.s32 $0xFFFF3800  }
0x5a: {  	_ =	sfence.sel $0x180000  }
0x5b: {  	[bflag:$0x0] =	sbarrier.arrive $0xFFFF  }
0x5c: {  	p0 =	sne.s32 s0, $0x0;
	_ =	strace $0x9000004D  }
0x5d: {  	s0 =	sadd.s32 @!p0 $0x100000, s2;
	[bflag:$0x2] =	sbarrier.arrive $0xFFFF  }
0x5e: {  	[sflag:s0] =	ssyncadd.tile.s32 @!p0 $0x1;
	_ =	shalt  }
.Lfunc_end2:
_tile_overlayer_lowered:
.L_overlay_start_2:
0x5f: {  	(tag) =	ssettag $0x2  }
0x60: {  	s0 =	rddreg [dreg:$0x0];
	s2 =	stileid.u32  }
0x61: {  	s1 =	rddreg [dreg:$0x1];
	p0 =	sne.s32 s2, $0x0  }
0x62: {  	s3 =	rddreg [dreg:$0x2];
	[bflag:$0x3] =	sbarrier.arrive $0xFFFF;
	s2 =	simm.s32 @!p0 $0x1C03  }
0x63: {  	[timem:s3], [sflag:s2] =	dma.local @!p0 [hbm:s0], s1  }
0x64: {  	s0 =	simm.s32 @!p0 $0x3  }
0x65: {  	_ =	swait.ge @!p0 [sflag:s0], s1  }
0x66: {  	s1 =	ssub.s32 @!p0 $0x0, s1;
	[sflag:s0] =	ssyncset.done @!p0 $0x0  }
0x67: {  	[sflag:s0] =	ssyncadd.s32 @!p0 s1  }
0x68: {  	[bflag:$0x3] =	sbarrier.arrive $0xFFFF  }
0x69: {  	_ =	shalt  }

// kernel: kernel.16.cloned.1.call-start
scs
__scs_entry_jumppad:
0x0: {  	(pc) =	sbr.rel $0x88, $3  }
0x1: {  	(tag) =	ssettag $0x0;
	lr =	simm.s32 $0x1  }
0x2: {  	[smem:$0x3F9A] =	sst lr;
	_ =	strace $0xD0000000  }
0x3: {  	_ = 	snop  }
0x4: {  	_ = 	snop  }
0x5: {  	_ = 	snop  }
0x6: {  	_ = 	snop  }
0x7: {  	_ = 	snop  }
__scs_overlays_trampoline_lowered:
0x8: {  	[smem:$0x3FA9] =	sst s0  }
0x9: {  	[smem:$0x3FAA] =	sst s1  }
0xa: {  	[smem:$0x3FAB] =	sst s2  }
0xb: {  	[smem:$0x3FAC] =	sst s3  }
0xc: {  	[smem:$0x3FAD] =	sst s4  }
0xd: {  	[smem:$0x3FAE] =	sst s5  }
0xe: {  	[smem:$0x3FAF] =	sst s6  }
0xf: {  	[smem:$0x3FB0] =	sst s7  }
0x10: {  	[smem:$0x3FB1] =	sst s8  }
0x11: {  	[smem:$0x3FB2] =	sst s9;
	s0 =	simm.s32 @!p0 $0x0  }
0x12: {  	s1 =	sld [smem:$0x3F98];
	s0 =	simm.s32 @p0 $0x1  }
0x13: {  	[smem:$0x3FB3] =	sst s0;
	s0 =	simm.s32 @!p1 $0x0  }
0x14: {  	s2 =	sld [smem:$0x3F97];
	s0 =	simm.s32 @p1 $0x1  }
0x15: {  	[smem:$0x3FB4] =	sst s0;
	s0 =	simm.s32 @!p2 $0x0  }
0x16: {  	s3 =	sld [smem:$0x3FDB];
	s0 =	simm.s32 @p2 $0x1  }
0x17: {  	s4 =	simm.s32 $0x1BF5;
	[smem:$0x3FB6] =	sst s0  }
0x18: {  	s0 =	sld [smem:$0x3F99];
	_ =	swait.ge [sflag:s4], $0x0  }
0x19: {  	s7 =	sld [smem:$0x3F9A]  }
0x1a: {  	s8 =	sadd.s32 $0xFFFFE003, lr  }
0x1b: {  	s9 =	sadd.s32 $0xFFFFFEF7, lr;
	s5 =	simm.s32 $0xFFFFFFFF;
	p2 =	slt.u32 s8, $0xFFFFF086  }
0x1c: {  	p1 =	slt.u32 s9, $0xF7A;
	s5 =	simm.s32 @!p2 $0x0  }
0x1d: {  	s5 =	simm.s32 @p1 $0x1;
	p0 =	seq.s32 s7, s2  }
0x1e: {  	s7 =	smul.u32 @!p0 $0xF7A, s2;
	p2 =	seq.s32 @!p0 s5, $0x0  }
0x1f: {  	s9 =	smul.u32 $0xF7A, s1;
	s8 =	simm.s32 @!p0 $0x1BF5;
	p2 =	por !p2, p0  }
0x20: {  	[sflag:s8] =	ssyncset.s32 @!p0 $0xFFFFF086;
	s6 =	sadd.s32 @!p0 s3, s7;
	s7 =	simm.s32 @!p0 $0x108  }
0x21: {  	s3 =	sadd.s32 s3, s9;
	s6 =	sadd.s32 @!p0 $0x88, s6;
	s7 =	simm.s32 @p2 $0x1082  }
0x22: {  	[simem:s7], [sflag:s8] =	dma.local @!p0 [hbm:s6], $0xF7A  }
0x23: {  	s9 =	sor.u32 $0xD0000000, s2;
	s6 =	simm.s32 $0x108;
	_ =	swait.ge @!p0 [sflag:s8], $0x0  }
0x24: {  	s3 =	sadd.s32 $0x88, s3;
	s6 =	simm.s32 @!p1 $0x1082;
	[sflag:s4] =	ssyncset.s32 $0xFFFFF086  }
0x25: {  	[simem:s6], [sflag:s4] =	dma.local [hbm:s3], $0xF7A  }
0x26: {  	[smem:$0x3F9A] =	sst s1;
	(tag) =	ssettag s2;
	_ =	strace s9  }
0x27: {  	s1 =	sld [smem:$0x3FAA]  }
0x28: {  	s2 =	sld [smem:$0x3FAB]  }
0x29: {  	s4 =	sld [smem:$0x3FAD]  }
0x2a: {  	p0 =	seq.s32 s5, $0x0;
	s5 =	sld [smem:$0x3FAE]  }
0x2b: {  	s6 =	sld [smem:$0x3FAF]  }
0x2c: {  	s7 =	sld [smem:$0x3FB0]  }
0x2d: {  	s3 =	simm.s32 $0x108;
	s8 =	sld [smem:$0x3FB1]  }
0x2e: {  	s3 =	simm.s32 @!p0 $0x1082;
	s9 =	sld [smem:$0x3FB2]  }
0x2f: {  	lr =	sadd.s32 s0, s3;
	s0 =	sld [smem:$0x3FA9]  }
0x30: {  	s3 =	sld [smem:$0x3FAC]  }
0x31: {  	[smem:$0x3FB5] =	sst s10  }
0x32: {  	s10 =	sld [smem:$0x3FB3];
	_ =	sdelay $0x3  }
0x33: {  	p0 =	seq.s32 s10, $0x1;
	s10 =	sld [smem:$0x3FB5];
	_ =	sdelay $0x3  }
0x34: {  	[smem:$0x3FB5] =	sst s10  }
0x35: {  	s10 =	sld [smem:$0x3FB4];
	_ =	sdelay $0x3  }
0x36: {  	p1 =	seq.s32 s10, $0x1;
	s10 =	sld [smem:$0x3FB5];
	_ =	sdelay $0x3  }
0x37: {  	[smem:$0x3FB5] =	sst s10  }
0x38: {  	s10 =	sld [smem:$0x3FB6]  }
0x39: {  	_ = 	snop;
	(pc) =	sbr.ind lr, $3  }
0x3a: {  	_ = 	snop  }
0x3b: {  	_ = 	snop  }
0x3c: {  	p2 =	seq.s32 s10, $0x1;
	s10 =	sld [smem:$0x3FB5]  }
0x3d: {  	_ =	shalt  }
0x3e: {  	_ =	shalt  }
0x3f: {  	_ =	shalt  }
0x40: {  	_ =	shalt  }
0x41: {  	_ =	shalt  }
0x42: {  	_ =	shalt  }
0x43: {  	_ =	shalt  }
0x44: {  	_ =	shalt  }
0x45: {  	_ =	shalt  }
0x46: {  	_ =	shalt  }
0x47: {  	_ =	shalt  }
0x48: {  	_ =	shalt  }
0x49: {  	_ =	shalt  }
0x4a: {  	_ =	shalt  }
0x4b: {  	_ =	shalt  }
0x4c: {  	_ =	shalt  }
0x4d: {  	_ =	shalt  }
0x4e: {  	_ =	shalt  }
0x4f: {  	_ =	shalt  }
0x50: {  	_ =	shalt  }
0x51: {  	_ =	shalt  }
0x52: {  	_ =	shalt  }
0x53: {  	_ =	shalt  }
0x54: {  	_ =	shalt  }
0x55: {  	_ =	shalt  }
0x56: {  	_ =	shalt  }
0x57: {  	_ =	shalt  }
0x58: {  	_ =	shalt  }
0x59: {  	_ =	shalt  }
0x5a: {  	_ =	shalt  }
0x5b: {  	_ =	shalt  }
0x5c: {  	_ =	shalt  }
0x5d: {  	_ =	shalt  }
0x5e: {  	_ =	shalt  }
0x5f: {  	_ =	shalt  }
0x60: {  	_ =	shalt  }
0x61: {  	_ =	shalt  }
0x62: {  	_ =	shalt  }
0x63: {  	_ =	shalt  }
0x64: {  	_ =	shalt  }
0x65: {  	_ =	shalt  }
0x66: {  	_ =	shalt  }
0x67: {  	_ =	shalt  }
0x68: {  	_ =	shalt  }
0x69: {  	_ =	shalt  }
0x6a: {  	_ =	shalt  }
0x6b: {  	_ =	shalt  }
0x6c: {  	_ =	shalt  }
0x6d: {  	_ =	shalt  }
0x6e: {  	_ =	shalt  }
0x6f: {  	_ =	shalt  }
0x70: {  	_ =	shalt  }
0x71: {  	_ =	shalt  }
0x72: {  	_ =	shalt  }
0x73: {  	_ =	shalt  }
0x74: {  	_ =	shalt  }
0x75: {  	_ =	shalt  }
0x76: {  	_ =	shalt  }
0x77: {  	_ =	shalt  }
0x78: {  	_ =	shalt  }
0x79: {  	_ =	shalt  }
0x7a: {  	_ =	shalt  }
0x7b: {  	_ =	shalt  }
0x7c: {  	_ =	shalt  }
0x7d: {  	_ =	shalt  }
0x7e: {  	_ =	shalt  }
0x7f: {  	_ =	shalt  }
0x80: {  	_ =	shalt  }
0x81: {  	_ =	shalt  }
0x82: {  	_ =	shalt  }
0x83: {  	_ =	shalt  }
0x84: {  	_ =	shalt  }
0x85: {  	_ =	shalt  }
0x86: {  	_ =	shalt  }
0x87: {  	_ =	shalt  }
.Lfunc_end0:
.L_simem_size_0:
called_computation.2_lowered:
.L_overlay_start_0:
0x88: {  	s2 =	sld [smem:$0x3FD9]  }
0x89: {  	s3 =	sld [smem:$0x3FFE];
	_ =	sdelay $0x1  }
0x8a: {  	s1 =	srdreg.scid  }
0x8b: {  	s0 =	sand.u32 $0x1, s1  }
0x8c: {  	s15 =	sshll.u32 s0, $0xA;
	s2 =	sadd.s32 s3, s2  }
0x8d: {  	s2 =	sadd.s32 s2, s15  }
0x8e: {  	[smem:$0x3FC1] =	sst s2  }
0x8f: {  	_ = 	snop  }
0x90: {  	s4 =	sld [smem:$0x3FD0];
	_ =	sdelay $0x2  }
0x91: {  	s6 =	simm.s32 $0xD  }
0x92: {  	s7 =	simm.s32 $0x10;
	s2 =	sld [smem:$0x3FC5];
	s16 =	sadd.s32 $0x1, s4  }
0x93: {  	[smem:s7], [sflag:s6] =	dma.local [hbm:s16], $0x1  }
0x94: {  	_ =	swait.eq [sflag:s6], $0x1  }
0x95: {  	[sflag:s6] =	ssyncset.done $0x0  }
0x96: {  	s17 =	sld [smem:$0x13];
	[sflag:s6] =	ssyncadd.s32 $0xFFFFFFFF  }
0x97: {  	s5 =	sld [smem:$0x17]  }
0x98: {  	[smem:s7], [sflag:s6] =	dma.local [hbm:s4], $0x1  }
0x99: {  	_ =	swait.eq [sflag:s6], $0x1  }
0x9a: {  	[sflag:s6] =	ssyncset.done $0x0  }
0x9b: {  	[sflag:s6] =	ssyncadd.s32 $0xFFFFFFFF  }
0x9c: {  	s18 =	sld [smem:$0x13];
	(tm) =	ssettm $0x1  }
0x9d: {  	s19 =	sld [smem:$0x3FFB];
	_ =	sdelay $0x3  }
0x9e: {  	_ =	strace s19  }
0x9f: {  	s4 =	sld [smem:$0x3FFC];
	_ =	sdelay $0x3  }
0xa0: {  	_ =	strace s4  }
0xa1: {  	s4 =	sld [smem:$0x3FFD];
	_ =	sdelay $0x3  }
0xa2: {  	_ =	strace s4  }
0xa3: {  	_ =	strace $0x8FFFFFFF  }
0xa4: {  	s20 =	sld [smem:$0x3FDB];
	_ =	sdelay $0x1  }
0xa5: {  	s21 =	simm.s32 $_scs_section_size  }
0xa6: {  	s8 =	simm.s32 $_size__tile_overlayer_lowered;
	s9 =	simm.s32 $_tile_overlayer_lowered  }
0xa7: {  	s10 =	simm.s32 $0x1BFF;
	s22 =	sshll.u32 s9, $0x1;
	s7 =	sadd.s32 s21, s20  }
0xa8: {  	s23 =	simm.s32 $0x0;
	s8 =	sshll.u32 s8, $0x1;
	s9 =	sadd.s32 s22, s7  }
0xa9: {  	[timem:s23], [sflag:s10] =	dma.local [hbm:s9], s8  }
0xaa: {  	_ =	swait.ge [sflag:s10], s8  }
0xab: {  	s8 =	ssub.s32 $0x0, s8;
	[sflag:s10] =	ssyncset.done $0x0  }
0xac: {  	[sflag:s10] =	ssyncadd.s32 s8;
	_ =	sdelay $0x1  }
0xad: {  	s24 =	simm.s32 $0x1B8B  }
0xae: {  	_ =	swait.ge [sflag:s24], $0x1  }
0xaf: {  	[sflag:s24] =	ssyncset.done $0x0  }
0xb0: {  	[sflag:s24] =	ssyncadd.s32 $0xFFFFFFFF  }
0xb1: {  	s8 =	sld [smem:$0x0]  }
0xb2: {  	s9 =	sand.u32 $0xFFFFFFFE, s1  }
0xb3: {  	p0 =	sne.s32 s1, s9  }
0xb4: {  	s9 =	sshll.u32 @p0 s9, $0xE  }
0xb5: {  	s9 =	sadd.s32 @p0 $0x11B8D, s9;
	s10 =	sshll.u32 @p0 s8, $0x11  }
0xb6: {  	s9 =	sor.u32 @p0 s10, s9  }
0xb7: {  	[sflag:s9] =	ssyncadd.remote.s32 @p0 $0x1;
	_ =	sdelay $0x1  }
0xb8: {  	s9 =	simm.s32 @p0 $0x1B8D  }
0xb9: {  	_ =	swait.eq @p0 [sflag:s9], $0x1  }
0xba: {  	[sflag:s9] =	ssyncadd.s32 @p0 $0xFFFFFFFF  }
0xbb: {  	s10 =	sshll.u32 @!p0 s1, $0xE  }
0xbc: {  	s10 =	sor.u32 @!p0 $0x4000, s10;
	s9 =	simm.s32 @!p0 $0x1B8D  }
0xbd: {  	s8 =	sshll.u32 @!p0 s8, $0x11;
	s10 =	sadd.s32 @!p0 $0x11B8D, s10;
	_ =	swait.eq @!p0 [sflag:s9], $0x1  }
0xbe: {  	s8 =	sor.u32 @!p0 s8, s10;
	[sflag:s9] =	ssyncadd.s32 @!p0 $0xFFFFFFFF  }
0xbf: {  	s25 =	simm.s32 $0x1B8E;
	[sflag:s8] =	ssyncadd.remote.s32 @!p0 $0x1  }
0xc0: {  	s26 =	simm.s32 $execute0_lowered;
	[smem:$0x3FD2] =	sst s25  }
0xc1: {  	s8 =	sshll.u32 s26, $0x1;
	_ =	strace $0x80000049;
	[dreg:$0x1] =	wrdreg $0xFFFFFFFF  }
0xc2: {  	s28 =	simm.s32 $_size_execute0_lowered;
	s7 =	sadd.s32 s7, s8;
	[dreg:$0x0] =	wrdreg $0x0  }
0xc3: {  	s8 =	sshll.u32 s28, $0x1;
	[dreg:$0x2] =	wrdreg s7  }
0xc4: {  	[dreg:$0x3] =	wrdreg s8  }
0xc5: {  	[dreg:$0x4] =	wrdreg $0xC0  }
0xc6: {  	_ =	task [dreg:s23], $0x5FFFF  }
0xc7: {  	[dreg:$0x1] =	wrdreg $0xFFFFFFFF  }
0xc8: {  	[dreg:$0x0] =	wrdreg $0x60  }
0xc9: {  	[dreg:$0x2] =	wrdreg s5  }
0xca: {  	[dreg:$0x3] =	wrdreg s2  }
0xcb: {  	[dreg:$0x4] =	wrdreg s18  }
0xcc: {  	[dreg:$0x5] =	wrdreg s17  }
0xcd: {  	[dreg:$0x6] =	wrdreg $0xB  }
0xce: {  	_ =	task.clear_ibuf [dreg:s23], $0x7FFFF;
	_ =	strace $0x90000049  }
0xcf: {  	s29 =	simm.s32 $0xB;
	_ =	strace $0x8000004B  }
0xd0: {  	_ =	swait.ge [sflag:s29], $0x1  }
0xd1: {  	[sflag:s29] =	ssyncadd.s32 $0xFFFFFFFF  }
0xd2: {  	_ =	strace $0x9000004B  }
0xd3: {  	_ =	sfence  }
0xd4: {  	s30 =	sld [smem:$0x0];
	_ =	sdelay $0x2  }
0xd5: {  	s31 =	sshll.u32 s1, $0xD;
	s1 =	sshrl.u32 s1, $0x2  }
0xd6: {  	s3 =	sand.u32 $0x4000, s31;
	s1 =	sadd.s32 s1, s30  }
0xd7: {  	s0 =	sor.u32 s3, s0;
	s1 =	sshll.u32 s1, $0x11  }
0xd8: {  	s0 =	sor.u32 s1, s0  }
0xd9: {  	s0 =	sadd.s32 $0x8F2B, s0  }
0xda: {  	[sflag:s0] =	ssyncadd.remote.s32 $0x1  }
0xdb: {  	_ =	sfence.sel $0xFFFF  }
0xdc: {  	[dreg:$0x0] =	wrdreg $0xFFFFFFFF;
	(pc) =	sbr.abs _section_cstart, $3  }
0xdd: {  	[dreg:$0x1] =	wrdreg $0xFFFFFFFF  }
0xde: {  	_ =	task.clear_ibuf [dreg:s23], $0x2FFFF;
	_ =	strace $0x9FFFFFFF  }
0xdf: {  	(tm) =	ssettm $0x7FFFFFFF  }
tec
execute0_lowered:
.L_overlay_start_1:
0x0: {  	(tag) =	ssettag $0x1  }
0x1: {  	s8 =	rddreg [dreg:$0x0]  }
0x2: {  	s1 =	rddreg [dreg:$0x1]  }
0x3: {  	s4 =	rddreg [dreg:$0x2];
	s2 =	srdreg.scid  }
0x4: {  	s0 =	stileid.u32;
	s6 =	rddreg [dreg:$0x3];
	s3 =	simm.s32 $0x0  }
0x5: {  	s14 =	simm.s32 $0x1;
	s15 =	simm.s32 $0x2;
	s7 =	smul.u32 $0x32000, s0  }
0x6: {  	s5 =	sand.u32 $0x1, s2;
	s2 =	rddreg [dreg:$0x4];
	s11 =	smul.u32 $0x3200, s0  }
0x7: {  	s16 =	simm.s32 $0x0;
	[smem:$0x7FF] =	sst s3;
	s9 =	smul.u32 $0x19000, s5  }
0x8: {  	s10 =	ssub.s32 $0x2, s5;
	s13 =	smul.u32 $0x1900, s5;
	_ =	strace $0x8000004A  }
0x9: {  	s12 =	sshrl.u32 s10, $0x1;
	s28 =	sadd.s32 s7, s4;
	s6 =	sadd.s32 s7, s6  }
0xa: {  	s26 =	ssub.s32 s10, s12;
	s5 =	sadd.s32 s9, s28;
	s29 =	sadd.s32 s13, s11  }
0xb: {  	s6 =	sadd.s32 s9, s6;
	s9 =	simm.s32 $0x3;
	s11 =	simm.s32 $0x400  }
0xc: {  	s12 =	simm.s32 $0x200;
	s13 =	simm.s32 $0xCC00;
	s10 =	sadd.s32 $0x190, s29  }
0xd: {  	s4 =	smax.u32 s26, $0x1;
	s30 =	sshrl.u32 s29, $0x3;
	s31 =	sshrl.u32 s10, $0x3  }
0xe: {  	s7 =	sadd.s32 s30, s8;
	s10 =	simm.s32 $0x190;
	s8 =	sadd.s32 s31, s8  }
.LBB2_1:
0xf: {  	[tilespmem:s3], [sflag:$0x3] =	stream.linear.gather [hbm4b:s7+s3], $0x190, $0x38;
	[tilespmem:$0x19400] =	vst v63  }
0x10: {  	_ =	swait.ge [sflag:s9], $0x190  }
0x11: {  	[sflag:s9] =	ssyncset.done $0x0  }
0x12: {  	[sflag:s9] =	ssyncadd.s32 $0xFFFFFE70  }
0x13: {  	[tilespmem:s11], [sflag:$0x1] =	stream.indirect.gather [hbm4b:s1+s10], $0x80, s3, s10, $0xb8;
	[tilespmem:$0x19400] =	vst v63  }
0x14: {  	_ = 	snop  }
0x15: {  	[tilespmem:s12], [sflag:$0x3] =	stream.linear.gather [hbm4b:s8+s3], $0x190, $0x38;
	[tilespmem:$0x19400] =	vst v63  }
0x16: {  	_ =	swait.ge [sflag:s9], $0x190  }
0x17: {  	[sflag:s9] =	ssyncset.done $0x0  }
0x18: {  	[sflag:s9] =	ssyncadd.s32 $0xFFFFFE70  }
0x19: {  	[tilespmem:s13], [sflag:$0x1] =	stream.indirect.gather [hbm4b:s1+s10], $0x80, s12, s10, $0xb8;
	[tilespmem:$0x19400] =	vst v63  }
0x1a: {  	_ =	swait.ge [sflag:s14], $0xC800  }
0x1b: {  	[sflag:s14] =	ssyncset.done $0x0  }
0x1c: {  	s17 =	sadd.s32 $0x0, s5;
	[sflag:s14] =	ssyncadd.s32 $0xFFFF3800  }
0x1d: {  	[hbm4b:s17+s3] =	stream.linear.scatter [tilespmem:s11], [sflag:$0x2], $0xC800, $0x38;
	[tilespmem:$0x19400] =	vst v63  }
0x1e: {  	s18 =	sadd.s32 $0x0, s6  }
0x1f: {  	[hbm4b:s18+s3] =	stream.linear.scatter [tilespmem:s11], [sflag:$0x2], $0xC800, $0x38;
	[tilespmem:$0x19400] =	vst v63  }
0x20: {  	_ =	swait.ge [sflag:s14], $0xC800  }
0x21: {  	[sflag:s14] =	ssyncset.done $0x0  }
0x22: {  	s17 =	sadd.s32 $0x1900, s17;
	[sflag:s14] =	ssyncadd.s32 $0xFFFF3800  }
0x23: {  	[hbm4b:s17+s3] =	stream.linear.scatter [tilespmem:s13], [sflag:$0x2], $0xC800, $0x38;
	[tilespmem:$0x19400] =	vst v63  }
0x24: {  	s31 =	sadd.s32 $0x1900, s18  }
0x25: {  	[hbm4b:s31+s3] =	stream.linear.scatter [tilespmem:s13], [sflag:$0x2], $0xC800, $0x38;
	[tilespmem:$0x19400] =	vst v63  }
0x26: {  	_ =	swait.ge [sflag:s15], $0xC800  }
0x27: {  	[sflag:s15] =	ssyncset.done $0x0  }
0x28: {  	[sflag:s15] =	ssyncadd.s32 $0xFFFF3800  }
0x29: {  	_ =	swait.ge [sflag:s15], $0xC800  }
0x2a: {  	[sflag:s15] =	ssyncset.done $0x0  }
0x2b: {  	[sflag:s15] =	ssyncadd.s32 $0xFFFF3800  }
0x2c: {  	_ =	swait.ge [sflag:s15], $0xC800  }
0x2d: {  	[sflag:s15] =	ssyncset.done $0x0  }
0x2e: {  	[sflag:s15] =	ssyncadd.s32 $0xFFFF3800  }
0x2f: {  	s19 =	smov.u32 s8;
	_ =	swait.ge [sflag:s15], $0xC800  }
0x30: {  	s18 =	smov.u32 s7;
	s17 =	simm.s32 $0x3200;
	[sflag:s15] =	ssyncset.done $0x0  }
.LBB2_2:
0x31: {  	[sflag:s15] =	ssyncadd.s32 $0xFFFF3800  }
0x32: {  	s18 =	sadd.s32 $0x64, s18;
	s19 =	sadd.s32 $0x64, s19;
	s20 =	smov.u32 s17  }
0x33: {  	[tilespmem:s3], [sflag:$0x3] =	stream.linear.gather [hbm4b:s18+s3], $0x190, $0x38;
	[tilespmem:$0x19400] =	vst v63  }
0x34: {  	p0 =	sne.s32 s17, $0x15E00;
	s17 =	sadd.s32 $0x3200, s17;
	_ =	swait.ge [sflag:s9], $0x190  }
0x35: {  	[sflag:s9] =	ssyncset.done $0x0  }
0x36: {  	[sflag:s9] =	ssyncadd.s32 $0xFFFFFE70  }
0x37: {  	[tilespmem:s11], [sflag:$0x1] =	stream.indirect.gather [hbm4b:s1+s10], $0x80, s3, s10, $0xb8;
	[tilespmem:$0x19400] =	vst v63  }
0x38: {  	_ = 	snop  }
0x39: {  	[tilespmem:s12], [sflag:$0x3] =	stream.linear.gather [hbm4b:s19+s3], $0x190, $0x38;
	[tilespmem:$0x19400] =	vst v63  }
0x3a: {  	_ =	swait.ge [sflag:s9], $0x190  }
0x3b: {  	[sflag:s9] =	ssyncset.done $0x0  }
0x3c: {  	[sflag:s9] =	ssyncadd.s32 $0xFFFFFE70  }
0x3d: {  	[tilespmem:s13], [sflag:$0x1] =	stream.indirect.gather [hbm4b:s1+s10], $0x80, s12, s10, $0xb8;
	[tilespmem:$0x19400] =	vst v63  }
0x3e: {  	_ =	swait.ge [sflag:s14], $0xC800  }
0x3f: {  	[sflag:s14] =	ssyncset.done $0x0  }
0x40: {  	s21 =	sadd.s32 s20, s5;
	[sflag:s14] =	ssyncadd.s32 $0xFFFF3800  }
0x41: {  	[hbm4b:s21+s3] =	stream.linear.scatter [tilespmem:s11], [sflag:$0x2], $0xC800, $0x38;
	[tilespmem:$0x19400] =	vst v63  }
0x42: {  	s20 =	sadd.s32 s20, s6  }
0x43: {  	[hbm4b:s20+s3] =	stream.linear.scatter [tilespmem:s11], [sflag:$0x2], $0xC800, $0x38;
	[tilespmem:$0x19400] =	vst v63  }
0x44: {  	_ =	swait.ge [sflag:s14], $0xC800  }
0x45: {  	[sflag:s14] =	ssyncset.done $0x0  }
0x46: {  	s21 =	sadd.s32 $0x1900, s21;
	[sflag:s14] =	ssyncadd.s32 $0xFFFF3800  }
0x47: {  	[hbm4b:s21+s3] =	stream.linear.scatter [tilespmem:s13], [sflag:$0x2], $0xC800, $0x38;
	[tilespmem:$0x19400] =	vst v63  }
0x48: {  	s20 =	sadd.s32 $0x1900, s20  }
0x49: {  	[hbm4b:s20+s3] =	stream.linear.scatter [tilespmem:s13], [sflag:$0x2], $0xC800, $0x38;
	[tilespmem:$0x19400] =	vst v63  }
0x4a: {  	_ =	swait.ge [sflag:s15], $0xC800  }
0x4b: {  	[sflag:s15] =	ssyncset.done $0x0  }
0x4c: {  	[sflag:s15] =	ssyncadd.s32 $0xFFFF3800  }
0x4d: {  	_ =	swait.ge [sflag:s15], $0xC800  }
0x4e: {  	[sflag:s15] =	ssyncset.done $0x0  }
0x4f: {  	[sflag:s15] =	ssyncadd.s32 $0xFFFF3800  }
.Ltmp0:
0x50: {  	_ =	swait.ge [sflag:s15], $0xC800;
	(pc) =	sbr.rel @p0 .LBB2_2-.Ltmp0, $4  }
0x51: {  	[sflag:s15] =	ssyncset.done $0x0  }
0x52: {  	[sflag:s15] =	ssyncadd.s32 $0xFFFF3800  }
0x53: {  	_ =	swait.ge [sflag:s15], $0xC800  }
0x54: {  	[sflag:s15] =	ssyncset.done $0x0  }
0x55: {  	s16 =	sadd.s32 $0x1, s16  }
0x56: {  	p0 =	sne.s32 s16, s4  }
.Ltmp1:
0x57: {  	_ = 	snop;
	(pc) =	sbr.rel @p0 .LBB2_1-.Ltmp1, $2  }
0x58: {  	_ =	sdelay $0x2  }
0x59: {  	[sflag:s15] =	ssyncadd.s32 $0xFFFF3800  }
0x5a: {  	_ =	sfence.sel $0x180000  }
0x5b: {  	[bflag:$0x0] =	sbarrier.arrive $0xFFFF  }
0x5c: {  	p0 =	sne.s32 s0, $0x0;
	_ =	strace $0x9000004A  }
0x5d: {  	s0 =	sadd.s32 @!p0 $0x100000, s2;
	[bflag:$0x2] =	sbarrier.arrive $0xFFFF  }
0x5e: {  	[sflag:s0] =	ssyncadd.tile.s32 @!p0 $0x1;
	_ =	shalt  }
.Lfunc_end2:
_tile_overlayer_lowered:
.L_overlay_start_2:
0x5f: {  	(tag) =	ssettag $0x2  }
0x60: {  	s0 =	rddreg [dreg:$0x0];
	s2 =	stileid.u32  }
0x61: {  	s1 =	rddreg [dreg:$0x1];
	p0 =	sne.s32 s2, $0x0  }
0x62: {  	s3 =	rddreg [dreg:$0x2];
	[bflag:$0x3] =	sbarrier.arrive $0xFFFF;
	s2 =	simm.s32 @!p0 $0x1C03  }
0x63: {  	[timem:s3], [sflag:s2] =	dma.local @!p0 [hbm:s0], s1  }
0x64: {  	s0 =	simm.s32 @!p0 $0x3  }
0x65: {  	_ =	swait.ge @!p0 [sflag:s0], s1  }
0x66: {  	s1 =	ssub.s32 @!p0 $0x0, s1;
	[sflag:s0] =	ssyncset.done @!p0 $0x0  }
0x67: {  	[sflag:s0] =	ssyncadd.s32 @!p0 s1  }
0x68: {  	[bflag:$0x3] =	sbarrier.arrive $0xFFFF  }
0x69: {  	_ =	shalt  }

// kernel: kernel.19.cloned.1.call-start
scs
__scs_entry_jumppad:
0x0: {  	(pc) =	sbr.rel $0x88, $3  }
0x1: {  	(tag) =	ssettag $0x0;
	lr =	simm.s32 $0x1  }
0x2: {  	[smem:$0x3F9A] =	sst lr;
	_ =	strace $0xD0000000  }
0x3: {  	_ = 	snop  }
0x4: {  	_ = 	snop  }
0x5: {  	_ = 	snop  }
0x6: {  	_ = 	snop  }
0x7: {  	_ = 	snop  }
__scs_overlays_trampoline_lowered:
0x8: {  	[smem:$0x3FA9] =	sst s0  }
0x9: {  	[smem:$0x3FAA] =	sst s1  }
0xa: {  	[smem:$0x3FAB] =	sst s2  }
0xb: {  	[smem:$0x3FAC] =	sst s3  }
0xc: {  	[smem:$0x3FAD] =	sst s4  }
0xd: {  	[smem:$0x3FAE] =	sst s5  }
0xe: {  	[smem:$0x3FAF] =	sst s6  }
0xf: {  	[smem:$0x3FB0] =	sst s7  }
0x10: {  	[smem:$0x3FB1] =	sst s8  }
0x11: {  	[smem:$0x3FB2] =	sst s9;
	s0 =	simm.s32 @!p0 $0x0  }
0x12: {  	s1 =	sld [smem:$0x3F98];
	s0 =	simm.s32 @p0 $0x1  }
0x13: {  	[smem:$0x3FB3] =	sst s0;
	s0 =	simm.s32 @!p1 $0x0  }
0x14: {  	s2 =	sld [smem:$0x3F97];
	s0 =	simm.s32 @p1 $0x1  }
0x15: {  	[smem:$0x3FB4] =	sst s0;
	s0 =	simm.s32 @!p2 $0x0  }
0x16: {  	s3 =	sld [smem:$0x3FDB];
	s0 =	simm.s32 @p2 $0x1  }
0x17: {  	s4 =	simm.s32 $0x1BF5;
	[smem:$0x3FB6] =	sst s0  }
0x18: {  	s0 =	sld [smem:$0x3F99];
	_ =	swait.ge [sflag:s4], $0x0  }
0x19: {  	s7 =	sld [smem:$0x3F9A]  }
0x1a: {  	s8 =	sadd.s32 $0xFFFFE003, lr  }
0x1b: {  	s9 =	sadd.s32 $0xFFFFFEF7, lr;
	s5 =	simm.s32 $0xFFFFFFFF;
	p2 =	slt.u32 s8, $0xFFFFF086  }
0x1c: {  	p1 =	slt.u32 s9, $0xF7A;
	s5 =	simm.s32 @!p2 $0x0  }
0x1d: {  	s5 =	simm.s32 @p1 $0x1;
	p0 =	seq.s32 s7, s2  }
0x1e: {  	s7 =	smul.u32 @!p0 $0xF7A, s2;
	p2 =	seq.s32 @!p0 s5, $0x0  }
0x1f: {  	s9 =	smul.u32 $0xF7A, s1;
	s8 =	simm.s32 @!p0 $0x1BF5;
	p2 =	por !p2, p0  }
0x20: {  	[sflag:s8] =	ssyncset.s32 @!p0 $0xFFFFF086;
	s6 =	sadd.s32 @!p0 s3, s7;
	s7 =	simm.s32 @!p0 $0x108  }
0x21: {  	s3 =	sadd.s32 s3, s9;
	s6 =	sadd.s32 @!p0 $0x88, s6;
	s7 =	simm.s32 @p2 $0x1082  }
0x22: {  	[simem:s7], [sflag:s8] =	dma.local @!p0 [hbm:s6], $0xF7A  }
0x23: {  	s9 =	sor.u32 $0xD0000000, s2;
	s6 =	simm.s32 $0x108;
	_ =	swait.ge @!p0 [sflag:s8], $0x0  }
0x24: {  	s3 =	sadd.s32 $0x88, s3;
	s6 =	simm.s32 @!p1 $0x1082;
	[sflag:s4] =	ssyncset.s32 $0xFFFFF086  }
0x25: {  	[simem:s6], [sflag:s4] =	dma.local [hbm:s3], $0xF7A  }
0x26: {  	[smem:$0x3F9A] =	sst s1;
	(tag) =	ssettag s2;
	_ =	strace s9  }
0x27: {  	s1 =	sld [smem:$0x3FAA]  }
0x28: {  	s2 =	sld [smem:$0x3FAB]  }
0x29: {  	s4 =	sld [smem:$0x3FAD]  }
0x2a: {  	p0 =	seq.s32 s5, $0x0;
	s5 =	sld [smem:$0x3FAE]  }
0x2b: {  	s6 =	sld [smem:$0x3FAF]  }
0x2c: {  	s7 =	sld [smem:$0x3FB0]  }
0x2d: {  	s3 =	simm.s32 $0x108;
	s8 =	sld [smem:$0x3FB1]  }
0x2e: {  	s3 =	simm.s32 @!p0 $0x1082;
	s9 =	sld [smem:$0x3FB2]  }
0x2f: {  	lr =	sadd.s32 s0, s3;
	s0 =	sld [smem:$0x3FA9]  }
0x30: {  	s3 =	sld [smem:$0x3FAC]  }
0x31: {  	[smem:$0x3FB5] =	sst s10  }
0x32: {  	s10 =	sld [smem:$0x3FB3];
	_ =	sdelay $0x3  }
0x33: {  	p0 =	seq.s32 s10, $0x1;
	s10 =	sld [smem:$0x3FB5];
	_ =	sdelay $0x3  }
0x34: {  	[smem:$0x3FB5] =	sst s10  }
0x35: {  	s10 =	sld [smem:$0x3FB4];
	_ =	sdelay $0x3  }
0x36: {  	p1 =	seq.s32 s10, $0x1;
	s10 =	sld [smem:$0x3FB5];
	_ =	sdelay $0x3  }
0x37: {  	[smem:$0x3FB5] =	sst s10  }
0x38: {  	s10 =	sld [smem:$0x3FB6]  }
0x39: {  	_ = 	snop;
	(pc) =	sbr.ind lr, $3  }
0x3a: {  	_ = 	snop  }
0x3b: {  	_ = 	snop  }
0x3c: {  	p2 =	seq.s32 s10, $0x1;
	s10 =	sld [smem:$0x3FB5]  }
0x3d: {  	_ =	shalt  }
0x3e: {  	_ =	shalt  }
0x3f: {  	_ =	shalt  }
0x40: {  	_ =	shalt  }
0x41: {  	_ =	shalt  }
0x42: {  	_ =	shalt  }
0x43: {  	_ =	shalt  }
0x44: {  	_ =	shalt  }
0x45: {  	_ =	shalt  }
0x46: {  	_ =	shalt  }
0x47: {  	_ =	shalt  }
0x48: {  	_ =	shalt  }
0x49: {  	_ =	shalt  }
0x4a: {  	_ =	shalt  }
0x4b: {  	_ =	shalt  }
0x4c: {  	_ =	shalt  }
0x4d: {  	_ =	shalt  }
0x4e: {  	_ =	shalt  }
0x4f: {  	_ =	shalt  }
0x50: {  	_ =	shalt  }
0x51: {  	_ =	shalt  }
0x52: {  	_ =	shalt  }
0x53: {  	_ =	shalt  }
0x54: {  	_ =	shalt  }
0x55: {  	_ =	shalt  }
0x56: {  	_ =	shalt  }
0x57: {  	_ =	shalt  }
0x58: {  	_ =	shalt  }
0x59: {  	_ =	shalt  }
0x5a: {  	_ =	shalt  }
0x5b: {  	_ =	shalt  }
0x5c: {  	_ =	shalt  }
0x5d: {  	_ =	shalt  }
0x5e: {  	_ =	shalt  }
0x5f: {  	_ =	shalt  }
0x60: {  	_ =	shalt  }
0x61: {  	_ =	shalt  }
0x62: {  	_ =	shalt  }
0x63: {  	_ =	shalt  }
0x64: {  	_ =	shalt  }
0x65: {  	_ =	shalt  }
0x66: {  	_ =	shalt  }
0x67: {  	_ =	shalt  }
0x68: {  	_ =	shalt  }
0x69: {  	_ =	shalt  }
0x6a: {  	_ =	shalt  }
0x6b: {  	_ =	shalt  }
0x6c: {  	_ =	shalt  }
0x6d: {  	_ =	shalt  }
0x6e: {  	_ =	shalt  }
0x6f: {  	_ =	shalt  }
0x70: {  	_ =	shalt  }
0x71: {  	_ =	shalt  }
0x72: {  	_ =	shalt  }
0x73: {  	_ =	shalt  }
0x74: {  	_ =	shalt  }
0x75: {  	_ =	shalt  }
0x76: {  	_ =	shalt  }
0x77: {  	_ =	shalt  }
0x78: {  	_ =	shalt  }
0x79: {  	_ =	shalt  }
0x7a: {  	_ =	shalt  }
0x7b: {  	_ =	shalt  }
0x7c: {  	_ =	shalt  }
0x7d: {  	_ =	shalt  }
0x7e: {  	_ =	shalt  }
0x7f: {  	_ =	shalt  }
0x80: {  	_ =	shalt  }
0x81: {  	_ =	shalt  }
0x82: {  	_ =	shalt  }
0x83: {  	_ =	shalt  }
0x84: {  	_ =	shalt  }
0x85: {  	_ =	shalt  }
0x86: {  	_ =	shalt  }
0x87: {  	_ =	shalt  }
.Lfunc_end0:
.L_simem_size_0:
called_computation.3_lowered:
.L_overlay_start_0:
0x88: {  	s2 =	sld [smem:$0x3FD9]  }
0x89: {  	s3 =	sld [smem:$0x3FFE];
	_ =	sdelay $0x1  }
0x8a: {  	s1 =	srdreg.scid  }
0x8b: {  	s0 =	sand.u32 $0x1, s1  }
0x8c: {  	s14 =	sshll.u32 s0, $0xA;
	s2 =	sadd.s32 s3, s2  }
0x8d: {  	s2 =	sadd.s32 s2, s14  }
0x8e: {  	[smem:$0x3FC1] =	sst s2  }
0x8f: {  	_ = 	snop  }
0x90: {  	s2 =	sld [smem:$0x3FD0];
	_ =	sdelay $0x2  }
0x91: {  	s5 =	simm.s32 $0xD  }
0x92: {  	s6 =	simm.s32 $0x10;
	s15 =	sld [smem:$0x3FC5];
	s4 =	sadd.s32 $0x1, s2  }
0x93: {  	[smem:s6], [sflag:s5] =	dma.local [hbm:s4], $0x1  }
0x94: {  	_ =	swait.eq [sflag:s5], $0x1  }
0x95: {  	[sflag:s5] =	ssyncset.done $0x0  }
0x96: {  	s16 =	sld [smem:$0x10];
	[sflag:s5] =	ssyncadd.s32 $0xFFFFFFFF  }
0x97: {  	s7 =	sld [smem:$0x14]  }
0x98: {  	[smem:s6], [sflag:s5] =	dma.local [hbm:s2], $0x1  }
0x99: {  	_ =	swait.eq [sflag:s5], $0x1  }
0x9a: {  	[sflag:s5] =	ssyncset.done $0x0  }
0x9b: {  	[sflag:s5] =	ssyncadd.s32 $0xFFFFFFFF  }
0x9c: {  	s17 =	sld [smem:$0x10];
	(tm) =	ssettm $0x1  }
0x9d: {  	s18 =	sld [smem:$0x3FFB];
	_ =	sdelay $0x3  }
0x9e: {  	_ =	strace s18  }
0x9f: {  	s5 =	sld [smem:$0x3FFC];
	_ =	sdelay $0x3  }
0xa0: {  	_ =	strace s5  }
0xa1: {  	s5 =	sld [smem:$0x3FFD];
	_ =	sdelay $0x3  }
0xa2: {  	_ =	strace s5  }
0xa3: {  	_ =	strace $0x8FFFFFFF  }
0xa4: {  	s19 =	sld [smem:$0x3FDB];
	_ =	sdelay $0x1  }
0xa5: {  	s20 =	simm.s32 $_scs_section_size  }
0xa6: {  	s8 =	simm.s32 $_size__tile_overlayer_lowered;
	s9 =	simm.s32 $_tile_overlayer_lowered  }
0xa7: {  	s23 =	simm.s32 $0x1BFF;
	s22 =	sshll.u32 s9, $0x1;
	s5 =	sadd.s32 s20, s19  }
0xa8: {  	s10 =	simm.s32 $0x0;
	s21 =	sshll.u32 s8, $0x1;
	s8 =	sadd.s32 s22, s5  }
0xa9: {  	[timem:s10], [sflag:s23] =	dma.local [hbm:s8], s21  }
0xaa: {  	_ =	swait.ge [sflag:s23], s21  }
0xab: {  	s6 =	ssub.s32 $0x0, s21;
	[sflag:s23] =	ssyncset.done $0x0  }
0xac: {  	[sflag:s23] =	ssyncadd.s32 s6;
	_ =	sdelay $0x1  }
0xad: {  	s24 =	simm.s32 $0x1B8B  }
0xae: {  	_ =	swait.ge [sflag:s24], $0x1  }
0xaf: {  	[sflag:s24] =	ssyncset.done $0x0  }
0xb0: {  	s25 =	simm.s32 $0x1B8E;
	[sflag:s24] =	ssyncadd.s32 $0xFFFFFFFF  }
0xb1: {  	s26 =	simm.s32 $execute0_lowered;
	[smem:$0x3FD2] =	sst s25  }
0xb2: {  	s6 =	sshll.u32 s26, $0x1;
	_ =	strace $0x80000046;
	[dreg:$0x1] =	wrdreg $0xFFFFFFFF  }
0xb3: {  	s28 =	simm.s32 $_size_execute0_lowered;
	s5 =	sadd.s32 s5, s6;
	[dreg:$0x0] =	wrdreg $0x0  }
0xb4: {  	s6 =	sshll.u32 s28, $0x1;
	[dreg:$0x2] =	wrdreg s5  }
0xb5: {  	[dreg:$0x3] =	wrdreg s6  }
0xb6: {  	[dreg:$0x4] =	wrdreg $0xC0  }
0xb7: {  	_ =	task [dreg:s10], $0x5FFFF  }
0xb8: {  	[dreg:$0x1] =	wrdreg $0xFFFFFFFF  }
0xb9: {  	[dreg:$0x0] =	wrdreg $0x60  }
0xba: {  	[dreg:$0x2] =	wrdreg s7  }
0xbb: {  	[dreg:$0x3] =	wrdreg s15  }
0xbc: {  	[dreg:$0x4] =	wrdreg s17  }
0xbd: {  	[dreg:$0x5] =	wrdreg s16  }
0xbe: {  	[dreg:$0x6] =	wrdreg $0xC  }
0xbf: {  	_ =	task.clear_ibuf [dreg:s10], $0x7FFFF;
	_ =	strace $0x90000046  }
0xc0: {  	s29 =	simm.s32 $0xC;
	_ =	strace $0x80000048  }
0xc1: {  	_ =	swait.ge [sflag:s29], $0x1  }
0xc2: {  	[sflag:s29] =	ssyncadd.s32 $0xFFFFFFFF  }
0xc3: {  	_ =	strace $0x90000048  }
0xc4: {  	_ =	sfence  }
0xc5: {  	s30 =	sld [smem:$0x0];
	_ =	sdelay $0x2  }
0xc6: {  	s31 =	sshll.u32 s1, $0xD;
	s1 =	sshrl.u32 s1, $0x2  }
0xc7: {  	s3 =	sand.u32 $0x4000, s31;
	s1 =	sadd.s32 s1, s30  }
0xc8: {  	s0 =	sor.u32 s3, s0;
	s1 =	sshll.u32 s1, $0x11  }
0xc9: {  	s0 =	sor.u32 s1, s0  }
0xca: {  	s0 =	sadd.s32 $0x8F2B, s0  }
0xcb: {  	[sflag:s0] =	ssyncadd.remote.s32 $0x1  }
0xcc: {  	_ =	sfence.sel $0xFFFF  }
0xcd: {  	[dreg:$0x0] =	wrdreg $0xFFFFFFFF;
	(pc) =	sbr.abs _section_cstart, $3  }
0xce: {  	[dreg:$0x1] =	wrdreg $0xFFFFFFFF  }
0xcf: {  	_ =	task.clear_ibuf [dreg:s10], $0x2FFFF;
	_ =	strace $0x9FFFFFFF  }
0xd0: {  	(tm) =	ssettm $0x7FFFFFFF  }
0xd1: {  	_ =	shalt  }
tec
execute0_lowered:
.L_overlay_start_1:
0x0: {  	(tag) =	ssettag $0x1  }
0x1: {  	s1 =	srdreg.scid;
	s0 =	stileid.u32  }
0x2: {  	s8 =	rddreg [dreg:$0x0];
	s17 =	sand.u32 $0x1, s1;
	s31 =	sshll.u32 s0, $0x1  }
0x3: {  	s2 =	rddreg [dreg:$0x1];
	s12 =	sor.u32 s17, s31  }
0x4: {  	s14 =	rddreg [dreg:$0x2];
	s6 =	smul.u32 $0x380, s12  }
0x5: {  	s15 =	rddreg [dreg:$0x3];
	s3 =	simm.s32 $0x0  }
0x6: {  	s5 =	simm.s32 $0x3;
	[smem:$0x7FF] =	sst s3;
	s4 =	sshrl.u32 s6, $0x3  }
0x7: {  	s1 =	rddreg [dreg:$0x4];
	_ =	strace $0x80000047;
	s4 =	sadd.s32 s8, s4  }
0x8: {  	[tilespmem:s3], [sflag:$0x3] =	stream.linear.gather [hbm4b:s4+s3], $0x1C0, $0x38;
	[tilespmem:$0x1C400] =	vst v63  }
0x9: {  	_ =	swait.ge [sflag:s5], $0x1C0  }
0xa: {  	s7 =	simm.s32 $0x400;
	s16 =	sadd.s32 $0x1C0, s6;
	[sflag:s5] =	ssyncset.done $0x0  }
0xb: {  	s6 =	simm.s32 $0x1C0;
	s9 =	sshrl.u32 s16, $0x3;
	[sflag:s5] =	ssyncadd.s32 $0xFFFFFE40  }
0xc: {  	[tilespmem:s7], [sflag:$0x1] =	stream.indirect.gather [hbm4b:s2+s6], $0x80, s3, s6, $0xb8;
	[tilespmem:$0x1C400] =	vst v63  }
0xd: {  	s8 =	sadd.s32 s8, s9;
	s9 =	simm.s32 $0x200  }
0xe: {  	[tilespmem:s9], [sflag:$0x3] =	stream.linear.gather [hbm4b:s8+s3], $0x1C0, $0x38;
	[tilespmem:$0x1C400] =	vst v63  }
0xf: {  	_ =	swait.ge [sflag:s5], $0x1C0  }
0x10: {  	[sflag:s5] =	ssyncset.done $0x0  }
0x11: {  	s10 =	simm.s32 $0xE400;
	s11 =	simm.s32 $0x1;
	[sflag:s5] =	ssyncadd.s32 $0xFFFFFE40  }
0x12: {  	[tilespmem:s10], [sflag:$0x1] =	stream.indirect.gather [hbm4b:s2+s6], $0x80, s9, s6, $0xb8;
	[tilespmem:$0x1C400] =	vst v63  }
0x13: {  	s13 =	smul.u32 $0x3800, s12;
	_ =	swait.ge [sflag:s11], $0xE000  }
0x14: {  	[sflag:s11] =	ssyncset.done $0x0  }
0x15: {  	s12 =	sadd.s32 s14, s13;
	[sflag:s11] =	ssyncadd.s32 $0xFFFF2000  }
0x16: {  	[hbm4b:s12+s3] =	stream.linear.scatter [tilespmem:s7], [sflag:$0x2], $0xE000, $0x38;
	[tilespmem:$0x1C400] =	vst v63  }
0x17: {  	s13 =	sadd.s32 s15, s13  }
0x18: {  	[hbm4b:s13+s3] =	stream.linear.scatter [tilespmem:s7], [sflag:$0x2], $0xE000, $0x38;
	[tilespmem:$0x1C400] =	vst v63  }
0x19: {  	_ =	swait.ge [sflag:s11], $0xE000  }
0x1a: {  	s16 =	sshll.u32 s16, $0x4;
	[sflag:s11] =	ssyncset.done $0x0  }
0x1b: {  	s14 =	sadd.s32 s14, s16;
	[sflag:s11] =	ssyncadd.s32 $0xFFFF2000  }
0x1c: {  	[hbm4b:s14+s3] =	stream.linear.scatter [tilespmem:s10], [sflag:$0x2], $0xE000, $0x38;
	[tilespmem:$0x1C400] =	vst v63  }
0x1d: {  	s16 =	sadd.s32 s15, s16;
	s15 =	simm.s32 $0x2  }
0x1e: {  	[hbm4b:s16+s3] =	stream.linear.scatter [tilespmem:s10], [sflag:$0x2], $0xE000, $0x38;
	[tilespmem:$0x1C400] =	vst v63  }
0x1f: {  	_ =	swait.ge [sflag:s15], $0xE000  }
0x20: {  	s17 =	ssub.s32 $0x2, s17;
	[sflag:s15] =	ssyncset.done $0x0  }
0x21: {  	s18 =	sshrl.u32 s17, $0x1;
	[sflag:s15] =	ssyncadd.s32 $0xFFFF2000  }
0x22: {  	s17 =	ssub.s32 s17, s18;
	_ =	swait.ge [sflag:s15], $0xE000  }
0x23: {  	s17 =	smax.u32 s17, $0x1;
	[sflag:s15] =	ssyncset.done $0x0  }
0x24: {  	p0 =	sne.s32 s17, $0x1;
	[sflag:s15] =	ssyncadd.s32 $0xFFFF2000  }
.Ltmp0:
0x25: {  	_ =	swait.ge [sflag:s15], $0xE000;
	(pc) =	sbr.rel @!p0 .LBB2_2-.Ltmp0, $4  }
0x26: {  	[sflag:s15] =	ssyncset.done $0x0  }
0x27: {  	[sflag:s15] =	ssyncadd.s32 $0xFFFF2000  }
0x28: {  	_ =	swait.ge [sflag:s15], $0xE000  }
0x29: {  	s17 =	sadd.s32 $0xFFFFFFFF, s17;
	[sflag:s15] =	ssyncset.done $0x0  }
.LBB2_1:
0x2a: {  	p0 =	sne.s32 s17, $0x1;
	s17 =	sadd.s32 $0xFFFFFFFF, s17;
	[sflag:s15] =	ssyncadd.s32 $0xFFFF2000  }
0x2b: {  	[tilespmem:s3], [sflag:$0x3] =	stream.linear.gather [hbm4b:s4+s3], $0x1C0, $0x38;
	[tilespmem:$0x1C400] =	vst v63  }
0x2c: {  	_ =	swait.ge [sflag:s5], $0x1C0  }
0x2d: {  	[sflag:s5] =	ssyncset.done $0x0  }
0x2e: {  	[sflag:s5] =	ssyncadd.s32 $0xFFFFFE40  }
0x2f: {  	[tilespmem:s7], [sflag:$0x1] =	stream.indirect.gather [hbm4b:s2+s6], $0x80, s3, s6, $0xb8;
	[tilespmem:$0x1C400] =	vst v63  }
0x30: {  	_ = 	snop  }
0x31: {  	[tilespmem:s9], [sflag:$0x3] =	stream.linear.gather [hbm4b:s8+s3], $0x1C0, $0x38;
	[tilespmem:$0x1C400] =	vst v63  }
0x32: {  	_ =	swait.ge [sflag:s5], $0x1C0  }
0x33: {  	[sflag:s5] =	ssyncset.done $0x0  }
0x34: {  	[sflag:s5] =	ssyncadd.s32 $0xFFFFFE40  }
0x35: {  	[tilespmem:s10], [sflag:$0x1] =	stream.indirect.gather [hbm4b:s2+s6], $0x80, s9, s6, $0xb8;
	[tilespmem:$0x1C400] =	vst v63  }
0x36: {  	_ =	swait.ge [sflag:s11], $0xE000  }
0x37: {  	[sflag:s11] =	ssyncset.done $0x0  }
0x38: {  	[sflag:s11] =	ssyncadd.s32 $0xFFFF2000  }
0x39: {  	[hbm4b:s12+s3] =	stream.linear.scatter [tilespmem:s7], [sflag:$0x2], $0xE000, $0x38;
	[tilespmem:$0x1C400] =	vst v63  }
0x3a: {  	_ = 	snop  }
0x3b: {  	[hbm4b:s13+s3] =	stream.linear.scatter [tilespmem:s7], [sflag:$0x2], $0xE000, $0x38;
	[tilespmem:$0x1C400] =	vst v63  }
0x3c: {  	_ =	swait.ge [sflag:s11], $0xE000  }
0x3d: {  	[sflag:s11] =	ssyncset.done $0x0  }
0x3e: {  	[sflag:s11] =	ssyncadd.s32 $0xFFFF2000  }
0x3f: {  	[hbm4b:s14+s3] =	stream.linear.scatter [tilespmem:s10], [sflag:$0x2], $0xE000, $0x38;
	[tilespmem:$0x1C400] =	vst v63  }
0x40: {  	_ = 	snop  }
0x41: {  	[hbm4b:s16+s3] =	stream.linear.scatter [tilespmem:s10], [sflag:$0x2], $0xE000, $0x38;
	[tilespmem:$0x1C400] =	vst v63  }
0x42: {  	_ =	swait.ge [sflag:s15], $0xE000  }
0x43: {  	[sflag:s15] =	ssyncset.done $0x0  }
0x44: {  	[sflag:s15] =	ssyncadd.s32 $0xFFFF2000  }
0x45: {  	_ =	swait.ge [sflag:s15], $0xE000  }
0x46: {  	[sflag:s15] =	ssyncset.done $0x0  }
0x47: {  	[sflag:s15] =	ssyncadd.s32 $0xFFFF2000  }
.Ltmp1:
0x48: {  	_ =	swait.ge [sflag:s15], $0xE000;
	(pc) =	sbr.rel @p0 .LBB2_1-.Ltmp1, $4  }
0x49: {  	[sflag:s15] =	ssyncset.done $0x0  }
0x4a: {  	[sflag:s15] =	ssyncadd.s32 $0xFFFF2000  }
0x4b: {  	_ =	swait.ge [sflag:s15], $0xE000  }
0x4c: {  	[sflag:s15] =	ssyncset.done $0x0  }
.LBB2_2:
0x4d: {  	[sflag:s15] =	ssyncadd.s32 $0xFFFF2000  }
0x4e: {  	_ =	sfence.sel $0x180000  }
0x4f: {  	[bflag:$0x0] =	sbarrier.arrive $0xFFFF  }
0x50: {  	p0 =	sne.s32 s0, $0x0;
	_ =	strace $0x90000047  }
0x51: {  	s0 =	sadd.s32 @!p0 $0x100000, s1;
	[bflag:$0x2] =	sbarrier.arrive $0xFFFF  }
0x52: {  	[sflag:s0] =	ssyncadd.tile.s32 @!p0 $0x1;
	_ =	shalt  }
.Lfunc_end2:
_tile_overlayer_lowered:
.L_overlay_start_2:
0x53: {  	(tag) =	ssettag $0x2  }
0x54: {  	s0 =	rddreg [dreg:$0x0];
	s2 =	stileid.u32  }
0x55: {  	s1 =	rddreg [dreg:$0x1];
	p0 =	sne.s32 s2, $0x0  }
0x56: {  	s3 =	rddreg [dreg:$0x2];
	[bflag:$0x3] =	sbarrier.arrive $0xFFFF;
	s2 =	simm.s32 @!p0 $0x1C03  }
0x57: {  	[timem:s3], [sflag:s2] =	dma.local @!p0 [hbm:s0], s1  }
0x58: {  	s0 =	simm.s32 @!p0 $0x3  }
0x59: {  	_ =	swait.ge @!p0 [sflag:s0], s1  }
0x5a: {  	s1 =	ssub.s32 @!p0 $0x0, s1;
	[sflag:s0] =	ssyncset.done @!p0 $0x0  }
0x5b: {  	[sflag:s0] =	ssyncadd.s32 @!p0 s1  }
0x5c: {  	[bflag:$0x3] =	sbarrier.arrive $0xFFFF  }
0x5d: {  	_ =	shalt  }

</sc_bundles>
